<compile_context>
chip_gen: v7x
topology: tpu7x:2x2x1
jax: 0.10.2.dev20260603
libtpu: 0.0.44.dev20260713+nightly
codegen_flags: <defaults>
</compile_context>

<pallas_src>
import functools

import jax
import jax.numpy as jnp
from jax import lax
from jax.experimental import pallas as pl
from jax.experimental.pallas import tpu as pltpu
from jax.experimental.pallas import tpu_sc as plsc

VOCAB = 1000000
EMBED = 64
BATCH = 16384

_NW = 32
_L = 16
_NTILE = 7812
_TAILBASE = _NTILE * 128
_Q = _NTILE // _NW
_R = _NTILE - _Q * _NW
_IMGROWS = BATCH + 128
_TRASH = 255


def _make_lookup():
    mesh = plsc.VectorSubcoreMesh(core_axis_name="c", subcore_axis_name="s")

    @functools.partial(
        pl.kernel,
        mesh=mesh,
        out_type=jax.ShapeDtypeStruct((_IMGROWS, 128), jnp.float32),
        scratch_types=[
            pltpu.VMEM((BATCH,), jnp.int32),
            pltpu.VMEM((BATCH,), jnp.int32),
            pltpu.VMEM((256,), jnp.int32),
            pltpu.VMEM((256,), jnp.int32),
            pltpu.VMEM((32,), jnp.int32),
            pltpu.VMEM((32,), jnp.int32),
            pltpu.VMEM((4, EMBED, 128), jnp.float32),
            pltpu.VMEM((128, 128), jnp.float32),
            pltpu.VMEM((128, 128), jnp.int32),
            pltpu.SemaphoreType.DMA((4,)),
            pltpu.SemaphoreType.DMA,
        ],
        compiler_params=pltpu.CompilerParams(needs_layout_passes=False),
    )
    def lookup(idx_hbm, table_hbm, tail_hbm, img_hbm,
               idx_v, next_v, head_v, occ_v, tloc_v, tb_v,
               tile_v, rows_v, bl_v, semring, semw):
        cid = lax.axis_index("c")
        wid = lax.axis_index("s") * 2 + cid
        my_start = wid * _Q + jnp.minimum(wid, _R)
        nt = _Q + jnp.where(wid < _R, 1, 0)
        nbins = nt + jnp.where(wid == _NW - 1, 1, 0)

        pltpu.sync_copy(idx_hbm, idx_v)

        lane = lax.iota(jnp.int32, _L)
        neg1 = jnp.full((_L,), -1, jnp.int32)
        for r in range(16):
            head_v[pl.ds(r * _L, _L)] = neg1
        tloc_v[pl.ds(0, _L)] = neg1
        tloc_v[pl.ds(_L, _L)] = neg1
        tb_v[pl.ds(0, _L)] = neg1
        tb_v[pl.ds(_L, _L)] = neg1

        def scan_body(k, carry):
            b16 = lane + k * _L
            v16 = idx_v[pl.ds(k * _L, _L)]
            t16 = lax.shift_right_logical(v16, 7)
            raw = t16 - my_start
            bad = jnp.logical_or(raw < 0, raw >= nbins)
            loc = jnp.where(bad, _TRASH, raw)
            loc_s, b_s = plsc.sort_key_val(loc, b16)
            tloc_v[pl.ds(1, _L)] = loc_s
            tb_v[pl.ds(1, _L)] = b_s
            locm1 = tloc_v[pl.ds(0, _L)]
            locp1 = tloc_v[pl.ds(2, _L)]
            bm1 = tb_v[pl.ds(0, _L)]
            prevh = plsc.load_gather(head_v, [loc_s])
            samerun = loc_s == locm1
            nxt = jnp.where(samerun, bm1, prevh)
            plsc.store_scatter(next_v, [b_s], nxt)
            lastrun = loc_s != locp1
            plsc.store_scatter(head_v, [loc_s], b_s, mask=lastrun)
            return carry

        lax.fori_loop(0, BATCH // _L, scan_body, 0)

        def occ_body(r, cnt):
            h16 = head_v[pl.ds(r * _L, _L)]
            binid = lane + r * _L
            good = jnp.logical_and(h16 >= 0, binid < nbins)
            plsc.store_compressed(occ_v.at[pl.ds(cnt, _L)], binid, mask=good)
            return cnt + jnp.max(plsc.all_reduce_population_count(good))

        nocc = lax.fori_loop(0, 16, occ_body, jnp.int32(0))

        def occ_tile(o):
            g = jnp.max(
                plsc.load_gather(occ_v, [jnp.full((_L,), o, jnp.int32)])
            )
            return g, my_start + g

        def fetch(o, b):
            _, t_glob = occ_tile(o)

            @pl.when(t_glob < _NTILE)
            def _():
                for band in range(8):
                    pltpu.async_copy(
                        table_hbm.at[
                            pl.ds(band * 8, 8),
                            pl.ds(pl.multiple_of(t_glob * 128, 128), 128),
                        ],
                        tile_v.at[b].at[pl.ds(band * 8, 8)],
                        semring.at[b],
                    )

            @pl.when(t_glob >= _NTILE)
            def _():
                pltpu.async_copy(tail_hbm, tile_v.at[b], semring.at[b])

        def extract_one(o, p):
            par = jnp.int32(0)
            fetch_dyn(o, par)
            pltpu.make_async_copy(
                tail_hbm, tile_v.at[par], semring.at[par]
            ).wait()
            g, t_glob = occ_tile(o)
            base16 = jnp.full((_L,), t_glob * 128, jnp.int32)
            par16 = jnp.full((_L,), par, jnp.int32)
            e0 = jnp.max(
                plsc.load_gather(head_v, [jnp.full((_L,), g, jnp.int32)])
            )

            def chain_cond(c):
                return c[0] >= 0

            def chain_body(c):
                e, p = c
                e16 = jnp.full((_L,), e, jnp.int32)
                l16 = plsc.load_gather(idx_v, [e16]) - base16
                pr = lax.rem(p, jnp.int32(128))
                for j in range(EMBED // _L):
                    vals = plsc.load_gather(
                        tile_v, [par16, lane + j * _L, l16]
                    )
                    rows_v[pr, pl.ds(j * _L, _L)] = vals
                plsc.store_scatter(
                    bl_v,
                    [
                        jnp.full((_L,), lax.div(p, jnp.int32(128)), jnp.int32),
                        jnp.full((_L,), pr, jnp.int32),
                    ],
                    e16,
                    mask=lane < 1,
                )

                @pl.when(pr == 127)
                def _():
                    fr = lax.div(p, jnp.int32(128))
                    pltpu.async_copy(
                        rows_v, img_hbm.at[bl_v.at[fr]], semw
                    ).wait()

                en = jnp.max(plsc.load_gather(next_v, [e16]))
                return (en, p + 1)

            _, p = lax.while_loop(chain_cond, chain_body, (e0, p))
            return p

        def fetch_dyn(o, par):
            _, t_glob = occ_tile(o)

            @pl.when(t_glob < _NTILE)
            def _():
                for band in range(8):
                    pltpu.async_copy(
                        table_hbm.at[
                            pl.ds(band * 8, 8),
                            pl.ds(pl.multiple_of(t_glob * 128, 128), 128),
                        ],
                        tile_v.at[par].at[pl.ds(band * 8, 8)],
                        semring.at[par],
                    )

            @pl.when(t_glob >= _NTILE)
            def _():
                pltpu.async_copy(tail_hbm, tile_v.at[par], semring.at[par])

        p_end = lax.fori_loop(0, nocc, extract_one, jnp.int32(0))

        @pl.when(lax.rem(p_end, jnp.int32(128)) > 0)
        def _():
            pr = lax.rem(p_end, jnp.int32(128))
            fr = lax.div(p_end, jnp.int32(128))
            dummy = jnp.full((_L,), BATCH, jnp.int32)
            for m in range(8):
                c16 = lane + m * _L
                plsc.store_scatter(
                    bl_v,
                    [jnp.full((_L,), fr, jnp.int32), c16],
                    dummy,
                    mask=c16 >= pr,
                )
            pltpu.async_copy(rows_v, img_hbm.at[bl_v.at[fr]], semw).wait()

    return lookup


_lookup = _make_lookup()


def kernel(inputs, embeddings):
    idx = inputs.astype(jnp.int32)
    table_t = embeddings.T
    tail = jnp.pad(embeddings[_TAILBASE:, :].T, ((0, 0), (0, 64)))
    img = _lookup(idx, table_t, tail)
    return img[:BATCH, :EMBED]

# --- scband reference (transcript-rebuilt; emitter-appended) ---
"""Pipeline reference for scband-word2vec-embedding-77008763617902 (READ-ONLY COPY).

The authoritative reference and input builder live on the scoring server;
editing this copy changes nothing except your own understanding.
"""

import jax, jax.numpy as jnp
import numpy as np

VOCAB = 1000000
EMBED = 64
BATCH = 16384

def setup_inputs(seed: int = 0) -> dict:
    key = jax.random.key(seed)
    k_idx, k_emb = jax.random.split(key)
    inputs = jax.random.randint(k_idx, (BATCH,), 0, VOCAB, dtype=jnp.int64 if jax.config.jax_enable_x64 else jnp.int32)
    embeddings = jax.random.uniform(k_emb, (VOCAB, EMBED), dtype=jnp.float32, minval=-1.0, maxval=1.0)
    return {"inputs": inputs, "embeddings": embeddings}

def reference(inputs, embeddings):
    # tf.nn.embedding_lookup(params=embeddings, ids=inputs)
    outputs = jnp.take(embeddings, inputs, axis=0)
    return outputs

if __name__ == "__main__":
    import jax
    _d = setup_inputs()
    print(jax.jit(kernel)(*tuple(_d.values())))

</pallas_src>

<mosaic_0001>
#map = affine_map<(d0, d1) -> (0)>
#map1 = affine_map<(d0, d1) -> (0, 0)>
module attributes {stable_mosaic.version = 14 : i64} {
  func.func @lookup(%arg0: i32, %arg1: i32, %arg2: memref<16384xi32, #tpu.memory_space<hbm>>, %arg3: memref<64x1000000xf32, #tpu.memory_space<hbm>>, %arg4: memref<64x128xf32, #tpu.memory_space<hbm>>, %arg5: memref<16512x128xf32, #tpu.memory_space<hbm>>, %arg6: memref<16384xi32, #tpu.memory_space<vmem>>, %arg7: memref<16384xi32, #tpu.memory_space<vmem>>, %arg8: memref<256xi32, #tpu.memory_space<vmem>>, %arg9: memref<256xi32, #tpu.memory_space<vmem>>, %arg10: memref<32xi32, #tpu.memory_space<vmem>>, %arg11: memref<32xi32, #tpu.memory_space<vmem>>, %arg12: memref<4x64x128xf32, #tpu.memory_space<vmem>>, %arg13: memref<128x128xf32, #tpu.memory_space<vmem>>, %arg14: memref<128x128xi32, #tpu.memory_space<vmem>>, %arg15: memref<4x!tpu.dma_semaphore, #tpu.memory_space<semaphore_mem>>, %arg16: memref<!tpu.dma_semaphore, #tpu.memory_space<semaphore_mem>>) attributes {dimension_semantics = [#tpu.dimension_semantics<core_parallel>, #tpu.dimension_semantics<subcore_parallel>], iteration_bounds = array<i64: 2, 16>, scalar_prefetch = 0 : i64, scratch_operands = 11 : i64, tpu.core_type = #tpu.core_type<sc_vector_subcore>, window_params = [{transform_indices = #map}, {transform_indices = #map1}, {transform_indices = #map1}, {transform_indices = #map1}]} {
    %mul3A = arith.constant 2 : i32
    %mul3A_0 = arith.muli %arg1, %mul3A : i32
    %add3A = arith.addi %mul3A_0, %arg0 : i32
    %mul3A_1 = arith.constant 244 : i32
    %mul3A_2 = arith.muli %add3A, %mul3A_1 : i32
    %min3A = arith.constant 4 : i32
    %min3A_3 = arith.minsi %add3A, %min3A : i32
    %add3A_4 = arith.addi %mul3A_2, %min3A_3 : i32
    %lt3A = arith.constant 4 : i32
    %lt3A_5 = arith.cmpi slt, %add3A, %lt3A : i32
    %jit3A = arith.constant 1 : i32
    %jit3A_6 = arith.constant 0 : i32
    %select_n3A = arith.select %lt3A_5, %jit3A, %jit3A_6 : i32
    %add3A_7 = arith.constant 244 : i32
    %add3A_8 = arith.addi %add3A_7, %select_n3A : i32
    %eq3A = arith.constant 31 : i32
    %eq3A_9 = arith.cmpi eq, %add3A, %eq3A : i32
    %jit3A_10 = arith.constant 1 : i32
    %jit3A_11 = arith.constant 0 : i32
    %select_n3A_12 = arith.select %eq3A_9, %jit3A_10, %jit3A_11 : i32
    %add3A_13 = arith.addi %add3A_8, %select_n3A_12 : i32
    "tpu.region"() ({
      %run_scoped3A = tpu.sem_alloc : memref<!tpu.dma_semaphore, #tpu.memory_space<semaphore_mem>>
      tpu.enqueue_dma source(%arg2 : memref<16384xi32, #tpu.memory_space<hbm>>) target(%arg6 : memref<16384xi32, #tpu.memory_space<vmem>>) target_semaphore(%run_scoped3A : memref<!tpu.dma_semaphore, #tpu.memory_space<semaphore_mem>>)
      tpu.wait_dma2 semaphore(%run_scoped3A : memref<!tpu.dma_semaphore, #tpu.memory_space<semaphore_mem>>) src(%arg2 : memref<16384xi32, #tpu.memory_space<hbm>>) dst(%arg6 : memref<16384xi32, #tpu.memory_space<vmem>>)
      tpu.yield
    }) : () -> ()
    %iota3A = tpu.iota {dimensions = array<i32: 0>} : vector<16xi32>
    %broadcast_in_dim3A = arith.constant -1 : i32
    %broadcast_in_dim3A_14 = vector.broadcast %broadcast_in_dim3A : i32 to vector<16xi32>
    %swap3A = arith.constant 0 : index
    %swap3A_15 = tpu.vector_load %arg8[%swap3A] {strides = array<i32>} : memref<256xi32, #tpu.memory_space<vmem>>, vector<16xi32>,
    tpu.vector_store %arg8[%swap3A], %broadcast_in_dim3A_14 {strides = array<i32>} : memref<256xi32, #tpu.memory_space<vmem>>, vector<16xi32>,
    %swap3A_16 = arith.constant 16 : index
    %swap3A_17 = tpu.vector_load %arg8[%swap3A_16] {strides = array<i32>} : memref<256xi32, #tpu.memory_space<vmem>>, vector<16xi32>,
    tpu.vector_store %arg8[%swap3A_16], %broadcast_in_dim3A_14 {strides = array<i32>} : memref<256xi32, #tpu.memory_space<vmem>>, vector<16xi32>,
    %swap3A_18 = arith.constant 32 : index
    %swap3A_19 = tpu.vector_load %arg8[%swap3A_18] {strides = array<i32>} : memref<256xi32, #tpu.memory_space<vmem>>, vector<16xi32>,
    tpu.vector_store %arg8[%swap3A_18], %broadcast_in_dim3A_14 {strides = array<i32>} : memref<256xi32, #tpu.memory_space<vmem>>, vector<16xi32>,
    %swap3A_20 = arith.constant 48 : index
    %swap3A_21 = tpu.vector_load %arg8[%swap3A_20] {strides = array<i32>} : memref<256xi32, #tpu.memory_space<vmem>>, vector<16xi32>,
    tpu.vector_store %arg8[%swap3A_20], %broadcast_in_dim3A_14 {strides = array<i32>} : memref<256xi32, #tpu.memory_space<vmem>>, vector<16xi32>,
    %swap3A_22 = arith.constant 64 : index
    %swap3A_23 = tpu.vector_load %arg8[%swap3A_22] {strides = array<i32>} : memref<256xi32, #tpu.memory_space<vmem>>, vector<16xi32>,
    tpu.vector_store %arg8[%swap3A_22], %broadcast_in_dim3A_14 {strides = array<i32>} : memref<256xi32, #tpu.memory_space<vmem>>, vector<16xi32>,
    %swap3A_24 = arith.constant 80 : index
    %swap3A_25 = tpu.vector_load %arg8[%swap3A_24] {strides = array<i32>} : memref<256xi32, #tpu.memory_space<vmem>>, vector<16xi32>,
    tpu.vector_store %arg8[%swap3A_24], %broadcast_in_dim3A_14 {strides = array<i32>} : memref<256xi32, #tpu.memory_space<vmem>>, vector<16xi32>,
    %swap3A_26 = arith.constant 96 : index
    %swap3A_27 = tpu.vector_load %arg8[%swap3A_26] {strides = array<i32>} : memref<256xi32, #tpu.memory_space<vmem>>, vector<16xi32>,
    tpu.vector_store %arg8[%swap3A_26], %broadcast_in_dim3A_14 {strides = array<i32>} : memref<256xi32, #tpu.memory_space<vmem>>, vector<16xi32>,
    %swap3A_28 = arith.constant 112 : index
    %swap3A_29 = tpu.vector_load %arg8[%swap3A_28] {strides = array<i32>} : memref<256xi32, #tpu.memory_space<vmem>>, vector<16xi32>,
    tpu.vector_store %arg8[%swap3A_28], %broadcast_in_dim3A_14 {strides = array<i32>} : memref<256xi32, #tpu.memory_space<vmem>>, vector<16xi32>,
    %swap3A_30 = arith.constant 128 : index
    %swap3A_31 = tpu.vector_load %arg8[%swap3A_30] {strides = array<i32>} : memref<256xi32, #tpu.memory_space<vmem>>, vector<16xi32>,
    tpu.vector_store %arg8[%swap3A_30], %broadcast_in_dim3A_14 {strides = array<i32>} : memref<256xi32, #tpu.memory_space<vmem>>, vector<16xi32>,
    %swap3A_32 = arith.constant 144 : index
    %swap3A_33 = tpu.vector_load %arg8[%swap3A_32] {strides = array<i32>} : memref<256xi32, #tpu.memory_space<vmem>>, vector<16xi32>,
    tpu.vector_store %arg8[%swap3A_32], %broadcast_in_dim3A_14 {strides = array<i32>} : memref<256xi32, #tpu.memory_space<vmem>>, vector<16xi32>,
    %swap3A_34 = arith.constant 160 : index
    %swap3A_35 = tpu.vector_load %arg8[%swap3A_34] {strides = array<i32>} : memref<256xi32, #tpu.memory_space<vmem>>, vector<16xi32>,
    tpu.vector_store %arg8[%swap3A_34], %broadcast_in_dim3A_14 {strides = array<i32>} : memref<256xi32, #tpu.memory_space<vmem>>, vector<16xi32>,
    %swap3A_36 = arith.constant 176 : index
    %swap3A_37 = tpu.vector_load %arg8[%swap3A_36] {strides = array<i32>} : memref<256xi32, #tpu.memory_space<vmem>>, vector<16xi32>,
    tpu.vector_store %arg8[%swap3A_36], %broadcast_in_dim3A_14 {strides = array<i32>} : memref<256xi32, #tpu.memory_space<vmem>>, vector<16xi32>,
    %swap3A_38 = arith.constant 192 : index
    %swap3A_39 = tpu.vector_load %arg8[%swap3A_38] {strides = array<i32>} : memref<256xi32, #tpu.memory_space<vmem>>, vector<16xi32>,
    tpu.vector_store %arg8[%swap3A_38], %broadcast_in_dim3A_14 {strides = array<i32>} : memref<256xi32, #tpu.memory_space<vmem>>, vector<16xi32>,
    %swap3A_40 = arith.constant 208 : index
    %swap3A_41 = tpu.vector_load %arg8[%swap3A_40] {strides = array<i32>} : memref<256xi32, #tpu.memory_space<vmem>>, vector<16xi32>,
    tpu.vector_store %arg8[%swap3A_40], %broadcast_in_dim3A_14 {strides = array<i32>} : memref<256xi32, #tpu.memory_space<vmem>>, vector<16xi32>,
    %swap3A_42 = arith.constant 224 : index
    %swap3A_43 = tpu.vector_load %arg8[%swap3A_42] {strides = array<i32>} : memref<256xi32, #tpu.memory_space<vmem>>, vector<16xi32>,
    tpu.vector_store %arg8[%swap3A_42], %broadcast_in_dim3A_14 {strides = array<i32>} : memref<256xi32, #tpu.memory_space<vmem>>, vector<16xi32>,
    %swap3A_44 = arith.constant 240 : index
    %swap3A_45 = tpu.vector_load %arg8[%swap3A_44] {strides = array<i32>} : memref<256xi32, #tpu.memory_space<vmem>>, vector<16xi32>,
    tpu.vector_store %arg8[%swap3A_44], %broadcast_in_dim3A_14 {strides = array<i32>} : memref<256xi32, #tpu.memory_space<vmem>>, vector<16xi32>,
    %swap3A_46 = arith.constant 0 : index
    %swap3A_47 = tpu.vector_load %arg10[%swap3A_46] {strides = array<i32>} : memref<32xi32, #tpu.memory_space<vmem>>, vector<16xi32>,
    tpu.vector_store %arg10[%swap3A_46], %broadcast_in_dim3A_14 {strides = array<i32>} : memref<32xi32, #tpu.memory_space<vmem>>, vector<16xi32>,
    %swap3A_48 = arith.constant 16 : index
    %swap3A_49 = tpu.vector_load %arg10[%swap3A_48] {strides = array<i32>} : memref<32xi32, #tpu.memory_space<vmem>>, vector<16xi32>,
    tpu.vector_store %arg10[%swap3A_48], %broadcast_in_dim3A_14 {strides = array<i32>} : memref<32xi32, #tpu.memory_space<vmem>>, vector<16xi32>,
    %swap3A_50 = arith.constant 0 : index
    %swap3A_51 = tpu.vector_load %arg11[%swap3A_50] {strides = array<i32>} : memref<32xi32, #tpu.memory_space<vmem>>, vector<16xi32>,
    tpu.vector_store %arg11[%swap3A_50], %broadcast_in_dim3A_14 {strides = array<i32>} : memref<32xi32, #tpu.memory_space<vmem>>, vector<16xi32>,
    %swap3A_52 = arith.constant 16 : index
    %swap3A_53 = tpu.vector_load %arg11[%swap3A_52] {strides = array<i32>} : memref<32xi32, #tpu.memory_space<vmem>>, vector<16xi32>,
    tpu.vector_store %arg11[%swap3A_52], %broadcast_in_dim3A_14 {strides = array<i32>} : memref<32xi32, #tpu.memory_space<vmem>>, vector<16xi32>,
    %scan3A = arith.constant 0 : i32
    %scan3A_54 = arith.constant 0 : i32
    %scan3A_55 = arith.constant 1024 : i32
    %scan3A_56 = arith.addi %scan3A_54, %scan3A_55 : i32
    %scan3A_57 = arith.constant 1 : i32
    scf.for %scan3A_80 = %scan3A_54 to %scan3A_56 step %scan3A_57  : i32 {
      %mul3A_81 = arith.constant 16 : i32
      %mul3A_82 = arith.muli %scan3A_80, %mul3A_81 : i32
      %add3A_83 = vector.broadcast %mul3A_82 : i32 to vector<16xi32>
      %add3A_84 = arith.addi %iota3A, %add3A_83 : vector<16xi32>
      %mul3A_85 = arith.constant 16 : i32
      %mul3A_86 = arith.muli %scan3A_80, %mul3A_85 : i32
      %get3A = arith.index_cast %mul3A_86 : i32 to index
      %get3A_87 = tpu.vector_load %arg6[%get3A] {strides = array<i32>} : memref<16384xi32, #tpu.memory_space<vmem>>, vector<16xi32>,
      %shift_right_logical3A = arith.constant 7 : i32
      %shift_right_logical3A_88 = vector.broadcast %shift_right_logical3A : i32 to vector<16xi32>
      %shift_right_logical3A_89 = arith.shrui %get3A_87, %shift_right_logical3A_88 : vector<16xi32>
      %sub3A = vector.broadcast %add3A_4 : i32 to vector<16xi32>
      %sub3A_90 = arith.subi %shift_right_logical3A_89, %sub3A : vector<16xi32>
      %lt3A_91 = arith.constant 0 : i32
      %lt3A_92 = vector.broadcast %lt3A_91 : i32 to vector<16xi32>
      %lt3A_93 = arith.cmpi slt, %sub3A_90, %lt3A_92 : vector<16xi32>
      %ge3A = vector.broadcast %add3A_13 : i32 to vector<16xi32>
      %ge3A_94 = arith.cmpi sge, %sub3A_90, %ge3A : vector<16xi32>
      %or3A = arith.ori %lt3A_93, %ge3A_94 : vector<16xi1>
      %jit3A_95 = arith.constant 255 : i32
      %broadcast_in_dim3A_96 = vector.broadcast %jit3A_95 : i32 to vector<16xi32>
      %select_n3A_97 = arith.select %or3A, %broadcast_in_dim3A_96, %sub3A_90 : vector<16xi1>, vector<16xi32>
      %masked_sort3A = arith.constant dense<true> : vector<16xi1>
      %masked_sort3A_98 = arith.constant -2147483648 : i32
      %masked_sort3A_99 = vector.broadcast %masked_sort3A_98 : i32 to vector<16xi32>
      %masked_sort3A_100 = arith.xori %select_n3A_97, %masked_sort3A_99 : vector<16xi32>
      %masked_sort3A_101, %masked_sort3A_102, %masked_sort3A_103 = tpu.sort %masked_sort3A_100, %add3A_84 masked %masked_sort3A : (vector<16xi32>, vector<16xi32>, vector<16xi1>) -> (vector<16xi1>, vector<16xi32>, vector<16xi32>)
      %masked_sort3A_104 = arith.xori %masked_sort3A_102, %masked_sort3A_99 : vector<16xi32>
      %swap3A_105 = arith.constant 1 : index
      %swap3A_106 = tpu.vector_load %arg10[%swap3A_105] {strides = array<i32>} : memref<32xi32, #tpu.memory_space<vmem>>, vector<16xi32>,
      tpu.vector_store %arg10[%swap3A_105], %masked_sort3A_104 {strides = array<i32>} : memref<32xi32, #tpu.memory_space<vmem>>, vector<16xi32>,
      %swap3A_107 = arith.constant 1 : index
      %swap3A_108 = tpu.vector_load %arg11[%swap3A_107] {strides = array<i32>} : memref<32xi32, #tpu.memory_space<vmem>>, vector<16xi32>,
      tpu.vector_store %arg11[%swap3A_107], %masked_sort3A_103 {strides = array<i32>} : memref<32xi32, #tpu.memory_space<vmem>>, vector<16xi32>,
      %get3A_109 = arith.constant 0 : index
      %get3A_110 = tpu.vector_load %arg10[%get3A_109] {strides = array<i32>} : memref<32xi32, #tpu.memory_space<vmem>>, vector<16xi32>,
      %get3A_111 = arith.constant 2 : index
      %get3A_112 = tpu.vector_load %arg10[%get3A_111] {strides = array<i32>} : memref<32xi32, #tpu.memory_space<vmem>>, vector<16xi32>,
      %get3A_113 = arith.constant 0 : index
      %get3A_114 = tpu.vector_load %arg11[%get3A_113] {strides = array<i32>} : memref<32xi32, #tpu.memory_space<vmem>>, vector<16xi32>,
      %gather3A = tpu.vector_load_idx %arg8[%masked_sort3A_104] : memref<256xi32, #tpu.memory_space<vmem>>[vector<16xi32>], vector<16xi32>,
      %eq3A_115 = arith.cmpi eq, %masked_sort3A_104, %get3A_110 : vector<16xi32>
      %select_n3A_116 = arith.select %eq3A_115, %get3A_114, %gather3A : vector<16xi1>, vector<16xi32>
      tpu.vector_store_idx %arg7[%masked_sort3A_103], %select_n3A_116 : memref<16384xi32, #tpu.memory_space<vmem>>[vector<16xi32>], vector<16xi32>,
      %ne3A = arith.cmpi ne, %masked_sort3A_104, %get3A_112 : vector<16xi32>
      tpu.vector_store_idx %arg8[%masked_sort3A_104], %masked_sort3A_103 masked %ne3A : memref<256xi32, #tpu.memory_space<vmem>>[vector<16xi32>], vector<16xi32>, vector<16xi1>
    }
    %scan3A_58 = arith.constant 1024 : i32
    %scan3A_59 = arith.constant 0 : i32
    %scan3A_60 = arith.constant 0 : i32
    %scan3A_61 = arith.constant 16 : i32
    %scan3A_62 = arith.addi %scan3A_60, %scan3A_61 : i32
    %scan3A_63 = arith.constant 1 : i32
    %scan3A_64 = scf.for %scan3A_80 = %scan3A_60 to %scan3A_62 step %scan3A_63 iter_args(%scan3A_81 = %scan3A_59) -> (i32)  : i32 {
      %mul3A_82 = arith.constant 16 : i32
      %mul3A_83 = arith.muli %scan3A_80, %mul3A_82 : i32
      %get3A = arith.index_cast %mul3A_83 : i32 to index
      %get3A_84 = tpu.vector_load %arg8[%get3A] {strides = array<i32>} : memref<256xi32, #tpu.memory_space<vmem>>, vector<16xi32>,
      %mul3A_85 = arith.constant 16 : i32
      %mul3A_86 = arith.muli %scan3A_80, %mul3A_85 : i32
      %add3A_87 = vector.broadcast %mul3A_86 : i32 to vector<16xi32>
      %add3A_88 = arith.addi %iota3A, %add3A_87 : vector<16xi32>
      %ge3A = arith.constant 0 : i32
      %ge3A_89 = vector.broadcast %ge3A : i32 to vector<16xi32>
      %ge3A_90 = arith.cmpi sge, %get3A_84, %ge3A_89 : vector<16xi32>
      %lt3A_91 = vector.broadcast %add3A_13 : i32 to vector<16xi32>
      %lt3A_92 = arith.cmpi slt, %add3A_88, %lt3A_91 : vector<16xi32>
      %and3A = arith.andi %ge3A_90, %lt3A_92 : vector<16xi1>
      %swap3A_93 = arith.index_cast %scan3A_81 : i32 to index
      %swap3A_94 = tpu.vector_load %arg9[%swap3A_93] masked %and3A {strides = array<i32>} : memref<256xi32, #tpu.memory_space<vmem>>, vector<16xi32>, vector<16xi1>
      tpu.vector_store %arg9[%swap3A_93], %add3A_88 masked %and3A {strides = array<i32>} : memref<256xi32, #tpu.memory_space<vmem>>, vector<16xi32>, vector<16xi1>
      %all_reduce_population_count3A = tpu.all_reduce %and3A {dim = 0 : i64, kind = #tpu.reduction_kind<sum>} : vector<16xi1> -> vector<16xi32>
      %reduce_max3A = arith.constant true
      %reduce_max3A_95 = vector.broadcast %reduce_max3A : i1 to vector<16xi1>
      %reduce_max3A_96 = arith.constant -2147483648 : i32
      %reduce_max3A_97 = vector.broadcast %reduce_max3A_96 : i32 to vector<16xi32>
      %reduce_max3A_98 = arith.xori %all_reduce_population_count3A, %reduce_max3A_97 : vector<16xi32>
      %reduce_max3A_99 = tpu.scan <max>, %reduce_max3A_98 masked %reduce_max3A_95 : vector<16xi32>, vector<16xi1> -> vector<16xi32>
      %reduce_max3A_100 = arith.xori %reduce_max3A_99, %reduce_max3A_97 : vector<16xi32>
      %reduce_max3A_101 = vector.extract %reduce_max3A_100[15] : i32 from vector<16xi32>
      %add3A_102 = arith.addi %scan3A_81, %reduce_max3A_101 : i32
      scf.yield %add3A_102 : i32
    }
    %scan3A_65 = arith.constant 16 : i32
    %while3A = arith.constant 0 : i32
    %while3A_66 = arith.constant 0 : i32
    %while3A_67 = arith.subi %scan3A_64, %while3A : i32
    %while3A_68 = arith.addi %while3A, %while3A_67 : i32
    %while3A_69 = arith.constant 1 : i32
    %while3A_70 = arith.divsi %while3A_67, %while3A_69 : i32
    %while3A_71 = arith.muli %while3A_70, %while3A_69 : i32
    %while3A_72 = arith.addi %while3A, %while3A_71 : i32
    %while3A_73 = arith.constant 1 : i32
    %while3A_74 = scf.for %while3A_80 = %while3A to %while3A_72 step %while3A_73 iter_args(%while3A_81 = %while3A_66) -> (i32)  : i32 {
      %broadcast_in_dim3A_82 = vector.broadcast %while3A_80 : i32 to vector<16xi32>
      %gather3A = tpu.vector_load_idx %arg9[%broadcast_in_dim3A_82] : memref<256xi32, #tpu.memory_space<vmem>>[vector<16xi32>], vector<16xi32>,
      %reduce_max3A = arith.constant true
      %reduce_max3A_83 = vector.broadcast %reduce_max3A : i1 to vector<16xi1>
      %reduce_max3A_84 = arith.constant -2147483648 : i32
      %reduce_max3A_85 = vector.broadcast %reduce_max3A_84 : i32 to vector<16xi32>
      %reduce_max3A_86 = arith.xori %gather3A, %reduce_max3A_85 : vector<16xi32>
      %reduce_max3A_87 = tpu.scan <max>, %reduce_max3A_86 masked %reduce_max3A_83 : vector<16xi32>, vector<16xi1> -> vector<16xi32>
      %reduce_max3A_88 = arith.xori %reduce_max3A_87, %reduce_max3A_85 : vector<16xi32>
      %reduce_max3A_89 = vector.extract %reduce_max3A_88[15] : i32 from vector<16xi32>
      %add3A_90 = arith.addi %add3A_4, %reduce_max3A_89 : i32
      %lt3A_91 = arith.constant 7812 : i32
      %lt3A_92 = arith.cmpi slt, %add3A_90, %lt3A_91 : i32
      %convert_element_type3A_93 = arith.extui %lt3A_92 : i1 to i32
      %cond3A_94 = arith.constant 0 : i32
      %cond3A_95 = arith.constant 0 : i32
      %cond3A_96 = arith.cmpi ne, %convert_element_type3A_93, %cond3A_95 : i32
      scf.if %cond3A_96 {
        %mul3A_140 = arith.constant 128 : i32
        %mul3A_141 = arith.muli %add3A_90, %mul3A_140 : i32
        %multiple_of3A = tpu.assume_multiple %mul3A_141, 128 : i32
        %dma_start3A = arith.constant 0 : i32
        %dma_start3A_142 = arith.constant 0 : i32
        %dma_start3A_143 = tpu.memref_slice %arg12[%cond3A_94, %dma_start3A, %dma_start3A_142] : memref<4x64x128xf32, #tpu.memory_space<vmem>> -> memref<1x64x128xf32, #tpu.memory_space<vmem>>
        %dma_start3A_144 = tpu.memref_squeeze %dma_start3A_143 : memref<1x64x128xf32, #tpu.memory_space<vmem>> -> memref<64x128xf32, #tpu.memory_space<vmem>>
        %dma_start3A_145 = arith.constant 0 : i32
        %dma_start3A_146 = arith.constant 0 : i32
        %dma_start3A_147 = tpu.memref_slice %dma_start3A_144[%dma_start3A_145, %dma_start3A_146] : memref<64x128xf32, #tpu.memory_space<vmem>> -> memref<8x128xf32, #tpu.memory_space<vmem>>
        %dma_start3A_148 = arith.constant 0 : i32
        %dma_start3A_149 = tpu.memref_slice %arg3[%dma_start3A_148, %multiple_of3A] : memref<64x1000000xf32, #tpu.memory_space<hbm>> -> memref<8x128xf32, #tpu.memory_space<hbm>>
        %dma_start3A_150 = tpu.memref_slice %arg15[%cond3A_94] : memref<4x!tpu.dma_semaphore, #tpu.memory_space<semaphore_mem>> -> memref<1x!tpu.dma_semaphore, #tpu.memory_space<semaphore_mem>>
        %dma_start3A_151 = tpu.memref_squeeze %dma_start3A_150 : memref<1x!tpu.dma_semaphore, #tpu.memory_space<semaphore_mem>> -> memref<!tpu.dma_semaphore, #tpu.memory_space<semaphore_mem>>
        %dma_start3A_152 = arith.constant 0 : i32
        %dma_start3A_153 = arith.constant 0 : i32
        %dma_start3A_154 = tpu.memref_slice %arg12[%cond3A_94, %dma_start3A_152, %dma_start3A_153] : memref<4x64x128xf32, #tpu.memory_space<vmem>> -> memref<1x64x128xf32, #tpu.memory_space<vmem>>
        %dma_start3A_155 = tpu.memref_squeeze %dma_start3A_154 : memref<1x64x128xf32, #tpu.memory_space<vmem>> -> memref<64x128xf32, #tpu.memory_space<vmem>>
        %dma_start3A_156 = arith.constant 0 : i32
        %dma_start3A_157 = arith.constant 0 : i32
        %dma_start3A_158 = tpu.memref_slice %dma_start3A_155[%dma_start3A_156, %dma_start3A_157] : memref<64x128xf32, #tpu.memory_space<vmem>> -> memref<8x128xf32, #tpu.memory_space<vmem>>
        %dma_start3A_159 = arith.constant 0 : i32
        %dma_start3A_160 = tpu.memref_slice %arg3[%dma_start3A_159, %multiple_of3A] : memref<64x1000000xf32, #tpu.memory_space<hbm>> -> memref<8x128xf32, #tpu.memory_space<hbm>>
        tpu.enqueue_dma source(%dma_start3A_160 : memref<8x128xf32, #tpu.memory_space<hbm>>) target(%dma_start3A_158 : memref<8x128xf32, #tpu.memory_space<vmem>>) target_semaphore(%dma_start3A_151 : memref<!tpu.dma_semaphore, #tpu.memory_space<semaphore_mem>>)
        %mul3A_161 = arith.constant 128 : i32
        %mul3A_162 = arith.muli %add3A_90, %mul3A_161 : i32
        %multiple_of3A_163 = tpu.assume_multiple %mul3A_162, 128 : i32
        %dma_start3A_164 = arith.constant 0 : i32
        %dma_start3A_165 = arith.constant 0 : i32
        %dma_start3A_166 = tpu.memref_slice %arg12[%cond3A_94, %dma_start3A_164, %dma_start3A_165] : memref<4x64x128xf32, #tpu.memory_space<vmem>> -> memref<1x64x128xf32, #tpu.memory_space<vmem>>
        %dma_start3A_167 = tpu.memref_squeeze %dma_start3A_166 : memref<1x64x128xf32, #tpu.memory_space<vmem>> -> memref<64x128xf32, #tpu.memory_space<vmem>>
        %dma_start3A_168 = arith.constant 8 : i32
        %dma_start3A_169 = arith.constant 0 : i32
        %dma_start3A_170 = tpu.memref_slice %dma_start3A_167[%dma_start3A_168, %dma_start3A_169] : memref<64x128xf32, #tpu.memory_space<vmem>> -> memref<8x128xf32, #tpu.memory_space<vmem>>
        %dma_start3A_171 = arith.constant 8 : i32
        %dma_start3A_172 = tpu.memref_slice %arg3[%dma_start3A_171, %multiple_of3A_163] : memref<64x1000000xf32, #tpu.memory_space<hbm>> -> memref<8x128xf32, #tpu.memory_space<hbm>>
        %dma_start3A_173 = tpu.memref_slice %arg15[%cond3A_94] : memref<4x!tpu.dma_semaphore, #tpu.memory_space<semaphore_mem>> -> memref<1x!tpu.dma_semaphore, #tpu.memory_space<semaphore_mem>>
        %dma_start3A_174 = tpu.memref_squeeze %dma_start3A_173 : memref<1x!tpu.dma_semaphore, #tpu.memory_space<semaphore_mem>> -> memref<!tpu.dma_semaphore, #tpu.memory_space<semaphore_mem>>
        %dma_start3A_175 = arith.constant 0 : i32
        %dma_start3A_176 = arith.constant 0 : i32
        %dma_start3A_177 = tpu.memref_slice %arg12[%cond3A_94, %dma_start3A_175, %dma_start3A_176] : memref<4x64x128xf32, #tpu.memory_space<vmem>> -> memref<1x64x128xf32, #tpu.memory_space<vmem>>
        %dma_start3A_178 = tpu.memref_squeeze %dma_start3A_177 : memref<1x64x128xf32, #tpu.memory_space<vmem>> -> memref<64x128xf32, #tpu.memory_space<vmem>>
        %dma_start3A_179 = arith.constant 8 : i32
        %dma_start3A_180 = arith.constant 0 : i32
        %dma_start3A_181 = tpu.memref_slice %dma_start3A_178[%dma_start3A_179, %dma_start3A_180] : memref<64x128xf32, #tpu.memory_space<vmem>> -> memref<8x128xf32, #tpu.memory_space<vmem>>
        %dma_start3A_182 = arith.constant 8 : i32
        %dma_start3A_183 = tpu.memref_slice %arg3[%dma_start3A_182, %multiple_of3A_163] : memref<64x1000000xf32, #tpu.memory_space<hbm>> -> memref<8x128xf32, #tpu.memory_space<hbm>>
        tpu.enqueue_dma source(%dma_start3A_183 : memref<8x128xf32, #tpu.memory_space<hbm>>) target(%dma_start3A_181 : memref<8x128xf32, #tpu.memory_space<vmem>>) target_semaphore(%dma_start3A_174 : memref<!tpu.dma_semaphore, #tpu.memory_space<semaphore_mem>>)
        %mul3A_184 = arith.constant 128 : i32
        %mul3A_185 = arith.muli %add3A_90, %mul3A_184 : i32
        %multiple_of3A_186 = tpu.assume_multiple %mul3A_185, 128 : i32
        %dma_start3A_187 = arith.constant 0 : i32
        %dma_start3A_188 = arith.constant 0 : i32
        %dma_start3A_189 = tpu.memref_slice %arg12[%cond3A_94, %dma_start3A_187, %dma_start3A_188] : memref<4x64x128xf32, #tpu.memory_space<vmem>> -> memref<1x64x128xf32, #tpu.memory_space<vmem>>
        %dma_start3A_190 = tpu.memref_squeeze %dma_start3A_189 : memref<1x64x128xf32, #tpu.memory_space<vmem>> -> memref<64x128xf32, #tpu.memory_space<vmem>>
        %dma_start3A_191 = arith.constant 16 : i32
        %dma_start3A_192 = arith.constant 0 : i32
        %dma_start3A_193 = tpu.memref_slice %dma_start3A_190[%dma_start3A_191, %dma_start3A_192] : memref<64x128xf32, #tpu.memory_space<vmem>> -> memref<8x128xf32, #tpu.memory_space<vmem>>
        %dma_start3A_194 = arith.constant 16 : i32
        %dma_start3A_195 = tpu.memref_slice %arg3[%dma_start3A_194, %multiple_of3A_186] : memref<64x1000000xf32, #tpu.memory_space<hbm>> -> memref<8x128xf32, #tpu.memory_space<hbm>>
        %dma_start3A_196 = tpu.memref_slice %arg15[%cond3A_94] : memref<4x!tpu.dma_semaphore, #tpu.memory_space<semaphore_mem>> -> memref<1x!tpu.dma_semaphore, #tpu.memory_space<semaphore_mem>>
        %dma_start3A_197 = tpu.memref_squeeze %dma_start3A_196 : memref<1x!tpu.dma_semaphore, #tpu.memory_space<semaphore_mem>> -> memref<!tpu.dma_semaphore, #tpu.memory_space<semaphore_mem>>
        %dma_start3A_198 = arith.constant 0 : i32
        %dma_start3A_199 = arith.constant 0 : i32
        %dma_start3A_200 = tpu.memref_slice %arg12[%cond3A_94, %dma_start3A_198, %dma_start3A_199] : memref<4x64x128xf32, #tpu.memory_space<vmem>> -> memref<1x64x128xf32, #tpu.memory_space<vmem>>
        %dma_start3A_201 = tpu.memref_squeeze %dma_start3A_200 : memref<1x64x128xf32, #tpu.memory_space<vmem>> -> memref<64x128xf32, #tpu.memory_space<vmem>>
        %dma_start3A_202 = arith.constant 16 : i32
        %dma_start3A_203 = arith.constant 0 : i32
        %dma_start3A_204 = tpu.memref_slice %dma_start3A_201[%dma_start3A_202, %dma_start3A_203] : memref<64x128xf32, #tpu.memory_space<vmem>> -> memref<8x128xf32, #tpu.memory_space<vmem>>
        %dma_start3A_205 = arith.constant 16 : i32
        %dma_start3A_206 = tpu.memref_slice %arg3[%dma_start3A_205, %multiple_of3A_186] : memref<64x1000000xf32, #tpu.memory_space<hbm>> -> memref<8x128xf32, #tpu.memory_space<hbm>>
        tpu.enqueue_dma source(%dma_start3A_206 : memref<8x128xf32, #tpu.memory_space<hbm>>) target(%dma_start3A_204 : memref<8x128xf32, #tpu.memory_space<vmem>>) target_semaphore(%dma_start3A_197 : memref<!tpu.dma_semaphore, #tpu.memory_space<semaphore_mem>>)
        %mul3A_207 = arith.constant 128 : i32
        %mul3A_208 = arith.muli %add3A_90, %mul3A_207 : i32
        %multiple_of3A_209 = tpu.assume_multiple %mul3A_208, 128 : i32
        %dma_start3A_210 = arith.constant 0 : i32
        %dma_start3A_211 = arith.constant 0 : i32
        %dma_start3A_212 = tpu.memref_slice %arg12[%cond3A_94, %dma_start3A_210, %dma_start3A_211] : memref<4x64x128xf32, #tpu.memory_space<vmem>> -> memref<1x64x128xf32, #tpu.memory_space<vmem>>
        %dma_start3A_213 = tpu.memref_squeeze %dma_start3A_212 : memref<1x64x128xf32, #tpu.memory_space<vmem>> -> memref<64x128xf32, #tpu.memory_space<vmem>>
        %dma_start3A_214 = arith.constant 24 : i32
        %dma_start3A_215 = arith.constant 0 : i32
        %dma_start3A_216 = tpu.memref_slice %dma_start3A_213[%dma_start3A_214, %dma_start3A_215] : memref<64x128xf32, #tpu.memory_space<vmem>> -> memref<8x128xf32, #tpu.memory_space<vmem>>
        %dma_start3A_217 = arith.constant 24 : i32
        %dma_start3A_218 = tpu.memref_slice %arg3[%dma_start3A_217, %multiple_of3A_209] : memref<64x1000000xf32, #tpu.memory_space<hbm>> -> memref<8x128xf32, #tpu.memory_space<hbm>>
        %dma_start3A_219 = tpu.memref_slice %arg15[%cond3A_94] : memref<4x!tpu.dma_semaphore, #tpu.memory_space<semaphore_mem>> -> memref<1x!tpu.dma_semaphore, #tpu.memory_space<semaphore_mem>>
        %dma_start3A_220 = tpu.memref_squeeze %dma_start3A_219 : memref<1x!tpu.dma_semaphore, #tpu.memory_space<semaphore_mem>> -> memref<!tpu.dma_semaphore, #tpu.memory_space<semaphore_mem>>
        %dma_start3A_221 = arith.constant 0 : i32
        %dma_start3A_222 = arith.constant 0 : i32
        %dma_start3A_223 = tpu.memref_slice %arg12[%cond3A_94, %dma_start3A_221, %dma_start3A_222] : memref<4x64x128xf32, #tpu.memory_space<vmem>> -> memref<1x64x128xf32, #tpu.memory_space<vmem>>
        %dma_start3A_224 = tpu.memref_squeeze %dma_start3A_223 : memref<1x64x128xf32, #tpu.memory_space<vmem>> -> memref<64x128xf32, #tpu.memory_space<vmem>>
        %dma_start3A_225 = arith.constant 24 : i32
        %dma_start3A_226 = arith.constant 0 : i32
        %dma_start3A_227 = tpu.memref_slice %dma_start3A_224[%dma_start3A_225, %dma_start3A_226] : memref<64x128xf32, #tpu.memory_space<vmem>> -> memref<8x128xf32, #tpu.memory_space<vmem>>
        %dma_start3A_228 = arith.constant 24 : i32
        %dma_start3A_229 = tpu.memref_slice %arg3[%dma_start3A_228, %multiple_of3A_209] : memref<64x1000000xf32, #tpu.memory_space<hbm>> -> memref<8x128xf32, #tpu.memory_space<hbm>>
        tpu.enqueue_dma source(%dma_start3A_229 : memref<8x128xf32, #tpu.memory_space<hbm>>) target(%dma_start3A_227 : memref<8x128xf32, #tpu.memory_space<vmem>>) target_semaphore(%dma_start3A_220 : memref<!tpu.dma_semaphore, #tpu.memory_space<semaphore_mem>>)
        %mul3A_230 = arith.constant 128 : i32
        %mul3A_231 = arith.muli %add3A_90, %mul3A_230 : i32
        %multiple_of3A_232 = tpu.assume_multiple %mul3A_231, 128 : i32
        %dma_start3A_233 = arith.constant 0 : i32
        %dma_start3A_234 = arith.constant 0 : i32
        %dma_start3A_235 = tpu.memref_slice %arg12[%cond3A_94, %dma_start3A_233, %dma_start3A_234] : memref<4x64x128xf32, #tpu.memory_space<vmem>> -> memref<1x64x128xf32, #tpu.memory_space<vmem>>
        %dma_start3A_236 = tpu.memref_squeeze %dma_start3A_235 : memref<1x64x128xf32, #tpu.memory_space<vmem>> -> memref<64x128xf32, #tpu.memory_space<vmem>>
        %dma_start3A_237 = arith.constant 32 : i32
        %dma_start3A_238 = arith.constant 0 : i32
        %dma_start3A_239 = tpu.memref_slice %dma_start3A_236[%dma_start3A_237, %dma_start3A_238] : memref<64x128xf32, #tpu.memory_space<vmem>> -> memref<8x128xf32, #tpu.memory_space<vmem>>
        %dma_start3A_240 = arith.constant 32 : i32
        %dma_start3A_241 = tpu.memref_slice %arg3[%dma_start3A_240, %multiple_of3A_232] : memref<64x1000000xf32, #tpu.memory_space<hbm>> -> memref<8x128xf32, #tpu.memory_space<hbm>>
        %dma_start3A_242 = tpu.memref_slice %arg15[%cond3A_94] : memref<4x!tpu.dma_semaphore, #tpu.memory_space<semaphore_mem>> -> memref<1x!tpu.dma_semaphore, #tpu.memory_space<semaphore_mem>>
        %dma_start3A_243 = tpu.memref_squeeze %dma_start3A_242 : memref<1x!tpu.dma_semaphore, #tpu.memory_space<semaphore_mem>> -> memref<!tpu.dma_semaphore, #tpu.memory_space<semaphore_mem>>
        %dma_start3A_244 = arith.constant 0 : i32
        %dma_start3A_245 = arith.constant 0 : i32
        %dma_start3A_246 = tpu.memref_slice %arg12[%cond3A_94, %dma_start3A_244, %dma_start3A_245] : memref<4x64x128xf32, #tpu.memory_space<vmem>> -> memref<1x64x128xf32, #tpu.memory_space<vmem>>
        %dma_start3A_247 = tpu.memref_squeeze %dma_start3A_246 : memref<1x64x128xf32, #tpu.memory_space<vmem>> -> memref<64x128xf32, #tpu.memory_space<vmem>>
        %dma_start3A_248 = arith.constant 32 : i32
        %dma_start3A_249 = arith.constant 0 : i32
        %dma_start3A_250 = tpu.memref_slice %dma_start3A_247[%dma_start3A_248, %dma_start3A_249] : memref<64x128xf32, #tpu.memory_space<vmem>> -> memref<8x128xf32, #tpu.memory_space<vmem>>
        %dma_start3A_251 = arith.constant 32 : i32
        %dma_start3A_252 = tpu.memref_slice %arg3[%dma_start3A_251, %multiple_of3A_232] : memref<64x1000000xf32, #tpu.memory_space<hbm>> -> memref<8x128xf32, #tpu.memory_space<hbm>>
        tpu.enqueue_dma source(%dma_start3A_252 : memref<8x128xf32, #tpu.memory_space<hbm>>) target(%dma_start3A_250 : memref<8x128xf32, #tpu.memory_space<vmem>>) target_semaphore(%dma_start3A_243 : memref<!tpu.dma_semaphore, #tpu.memory_space<semaphore_mem>>)
        %mul3A_253 = arith.constant 128 : i32
        %mul3A_254 = arith.muli %add3A_90, %mul3A_253 : i32
        %multiple_of3A_255 = tpu.assume_multiple %mul3A_254, 128 : i32
        %dma_start3A_256 = arith.constant 0 : i32
        %dma_start3A_257 = arith.constant 0 : i32
        %dma_start3A_258 = tpu.memref_slice %arg12[%cond3A_94, %dma_start3A_256, %dma_start3A_257] : memref<4x64x128xf32, #tpu.memory_space<vmem>> -> memref<1x64x128xf32, #tpu.memory_space<vmem>>
        %dma_start3A_259 = tpu.memref_squeeze %dma_start3A_258 : memref<1x64x128xf32, #tpu.memory_space<vmem>> -> memref<64x128xf32, #tpu.memory_space<vmem>>
        %dma_start3A_260 = arith.constant 40 : i32
        %dma_start3A_261 = arith.constant 0 : i32
        %dma_start3A_262 = tpu.memref_slice %dma_start3A_259[%dma_start3A_260, %dma_start3A_261] : memref<64x128xf32, #tpu.memory_space<vmem>> -> memref<8x128xf32, #tpu.memory_space<vmem>>
        %dma_start3A_263 = arith.constant 40 : i32
        %dma_start3A_264 = tpu.memref_slice %arg3[%dma_start3A_263, %multiple_of3A_255] : memref<64x1000000xf32, #tpu.memory_space<hbm>> -> memref<8x128xf32, #tpu.memory_space<hbm>>
        %dma_start3A_265 = tpu.memref_slice %arg15[%cond3A_94] : memref<4x!tpu.dma_semaphore, #tpu.memory_space<semaphore_mem>> -> memref<1x!tpu.dma_semaphore, #tpu.memory_space<semaphore_mem>>
        %dma_start3A_266 = tpu.memref_squeeze %dma_start3A_265 : memref<1x!tpu.dma_semaphore, #tpu.memory_space<semaphore_mem>> -> memref<!tpu.dma_semaphore, #tpu.memory_space<semaphore_mem>>
        %dma_start3A_267 = arith.constant 0 : i32
        %dma_start3A_268 = arith.constant 0 : i32
        %dma_start3A_269 = tpu.memref_slice %arg12[%cond3A_94, %dma_start3A_267, %dma_start3A_268] : memref<4x64x128xf32, #tpu.memory_space<vmem>> -> memref<1x64x128xf32, #tpu.memory_space<vmem>>
        %dma_start3A_270 = tpu.memref_squeeze %dma_start3A_269 : memref<1x64x128xf32, #tpu.memory_space<vmem>> -> memref<64x128xf32, #tpu.memory_space<vmem>>
        %dma_start3A_271 = arith.constant 40 : i32
        %dma_start3A_272 = arith.constant 0 : i32
        %dma_start3A_273 = tpu.memref_slice %dma_start3A_270[%dma_start3A_271, %dma_start3A_272] : memref<64x128xf32, #tpu.memory_space<vmem>> -> memref<8x128xf32, #tpu.memory_space<vmem>>
        %dma_start3A_274 = arith.constant 40 : i32
        %dma_start3A_275 = tpu.memref_slice %arg3[%dma_start3A_274, %multiple_of3A_255] : memref<64x1000000xf32, #tpu.memory_space<hbm>> -> memref<8x128xf32, #tpu.memory_space<hbm>>
        tpu.enqueue_dma source(%dma_start3A_275 : memref<8x128xf32, #tpu.memory_space<hbm>>) target(%dma_start3A_273 : memref<8x128xf32, #tpu.memory_space<vmem>>) target_semaphore(%dma_start3A_266 : memref<!tpu.dma_semaphore, #tpu.memory_space<semaphore_mem>>)
        %mul3A_276 = arith.constant 128 : i32
        %mul3A_277 = arith.muli %add3A_90, %mul3A_276 : i32
        %multiple_of3A_278 = tpu.assume_multiple %mul3A_277, 128 : i32
        %dma_start3A_279 = arith.constant 0 : i32
        %dma_start3A_280 = arith.constant 0 : i32
        %dma_start3A_281 = tpu.memref_slice %arg12[%cond3A_94, %dma_start3A_279, %dma_start3A_280] : memref<4x64x128xf32, #tpu.memory_space<vmem>> -> memref<1x64x128xf32, #tpu.memory_space<vmem>>
        %dma_start3A_282 = tpu.memref_squeeze %dma_start3A_281 : memref<1x64x128xf32, #tpu.memory_space<vmem>> -> memref<64x128xf32, #tpu.memory_space<vmem>>
        %dma_start3A_283 = arith.constant 48 : i32
        %dma_start3A_284 = arith.constant 0 : i32
        %dma_start3A_285 = tpu.memref_slice %dma_start3A_282[%dma_start3A_283, %dma_start3A_284] : memref<64x128xf32, #tpu.memory_space<vmem>> -> memref<8x128xf32, #tpu.memory_space<vmem>>
        %dma_start3A_286 = arith.constant 48 : i32
        %dma_start3A_287 = tpu.memref_slice %arg3[%dma_start3A_286, %multiple_of3A_278] : memref<64x1000000xf32, #tpu.memory_space<hbm>> -> memref<8x128xf32, #tpu.memory_space<hbm>>
        %dma_start3A_288 = tpu.memref_slice %arg15[%cond3A_94] : memref<4x!tpu.dma_semaphore, #tpu.memory_space<semaphore_mem>> -> memref<1x!tpu.dma_semaphore, #tpu.memory_space<semaphore_mem>>
        %dma_start3A_289 = tpu.memref_squeeze %dma_start3A_288 : memref<1x!tpu.dma_semaphore, #tpu.memory_space<semaphore_mem>> -> memref<!tpu.dma_semaphore, #tpu.memory_space<semaphore_mem>>
        %dma_start3A_290 = arith.constant 0 : i32
        %dma_start3A_291 = arith.constant 0 : i32
        %dma_start3A_292 = tpu.memref_slice %arg12[%cond3A_94, %dma_start3A_290, %dma_start3A_291] : memref<4x64x128xf32, #tpu.memory_space<vmem>> -> memref<1x64x128xf32, #tpu.memory_space<vmem>>
        %dma_start3A_293 = tpu.memref_squeeze %dma_start3A_292 : memref<1x64x128xf32, #tpu.memory_space<vmem>> -> memref<64x128xf32, #tpu.memory_space<vmem>>
        %dma_start3A_294 = arith.constant 48 : i32
        %dma_start3A_295 = arith.constant 0 : i32
        %dma_start3A_296 = tpu.memref_slice %dma_start3A_293[%dma_start3A_294, %dma_start3A_295] : memref<64x128xf32, #tpu.memory_space<vmem>> -> memref<8x128xf32, #tpu.memory_space<vmem>>
        %dma_start3A_297 = arith.constant 48 : i32
        %dma_start3A_298 = tpu.memref_slice %arg3[%dma_start3A_297, %multiple_of3A_278] : memref<64x1000000xf32, #tpu.memory_space<hbm>> -> memref<8x128xf32, #tpu.memory_space<hbm>>
        tpu.enqueue_dma source(%dma_start3A_298 : memref<8x128xf32, #tpu.memory_space<hbm>>) target(%dma_start3A_296 : memref<8x128xf32, #tpu.memory_space<vmem>>) target_semaphore(%dma_start3A_289 : memref<!tpu.dma_semaphore, #tpu.memory_space<semaphore_mem>>)
        %mul3A_299 = arith.constant 128 : i32
        %mul3A_300 = arith.muli %add3A_90, %mul3A_299 : i32
        %multiple_of3A_301 = tpu.assume_multiple %mul3A_300, 128 : i32
        %dma_start3A_302 = arith.constant 0 : i32
        %dma_start3A_303 = arith.constant 0 : i32
        %dma_start3A_304 = tpu.memref_slice %arg12[%cond3A_94, %dma_start3A_302, %dma_start3A_303] : memref<4x64x128xf32, #tpu.memory_space<vmem>> -> memref<1x64x128xf32, #tpu.memory_space<vmem>>
        %dma_start3A_305 = tpu.memref_squeeze %dma_start3A_304 : memref<1x64x128xf32, #tpu.memory_space<vmem>> -> memref<64x128xf32, #tpu.memory_space<vmem>>
        %dma_start3A_306 = arith.constant 56 : i32
        %dma_start3A_307 = arith.constant 0 : i32
        %dma_start3A_308 = tpu.memref_slice %dma_start3A_305[%dma_start3A_306, %dma_start3A_307] : memref<64x128xf32, #tpu.memory_space<vmem>> -> memref<8x128xf32, #tpu.memory_space<vmem>>
        %dma_start3A_309 = arith.constant 56 : i32
        %dma_start3A_310 = tpu.memref_slice %arg3[%dma_start3A_309, %multiple_of3A_301] : memref<64x1000000xf32, #tpu.memory_space<hbm>> -> memref<8x128xf32, #tpu.memory_space<hbm>>
        %dma_start3A_311 = tpu.memref_slice %arg15[%cond3A_94] : memref<4x!tpu.dma_semaphore, #tpu.memory_space<semaphore_mem>> -> memref<1x!tpu.dma_semaphore, #tpu.memory_space<semaphore_mem>>
        %dma_start3A_312 = tpu.memref_squeeze %dma_start3A_311 : memref<1x!tpu.dma_semaphore, #tpu.memory_space<semaphore_mem>> -> memref<!tpu.dma_semaphore, #tpu.memory_space<semaphore_mem>>
        %dma_start3A_313 = arith.constant 0 : i32
        %dma_start3A_314 = arith.constant 0 : i32
        %dma_start3A_315 = tpu.memref_slice %arg12[%cond3A_94, %dma_start3A_313, %dma_start3A_314] : memref<4x64x128xf32, #tpu.memory_space<vmem>> -> memref<1x64x128xf32, #tpu.memory_space<vmem>>
        %dma_start3A_316 = tpu.memref_squeeze %dma_start3A_315 : memref<1x64x128xf32, #tpu.memory_space<vmem>> -> memref<64x128xf32, #tpu.memory_space<vmem>>
        %dma_start3A_317 = arith.constant 56 : i32
        %dma_start3A_318 = arith.constant 0 : i32
        %dma_start3A_319 = tpu.memref_slice %dma_start3A_316[%dma_start3A_317, %dma_start3A_318] : memref<64x128xf32, #tpu.memory_space<vmem>> -> memref<8x128xf32, #tpu.memory_space<vmem>>
        %dma_start3A_320 = arith.constant 56 : i32
        %dma_start3A_321 = tpu.memref_slice %arg3[%dma_start3A_320, %multiple_of3A_301] : memref<64x1000000xf32, #tpu.memory_space<hbm>> -> memref<8x128xf32, #tpu.memory_space<hbm>>
        tpu.enqueue_dma source(%dma_start3A_321 : memref<8x128xf32, #tpu.memory_space<hbm>>) target(%dma_start3A_319 : memref<8x128xf32, #tpu.memory_space<vmem>>) target_semaphore(%dma_start3A_312 : memref<!tpu.dma_semaphore, #tpu.memory_space<semaphore_mem>>)
      } else {
      }
      %ge3A = arith.constant 7812 : i32
      %ge3A_97 = arith.cmpi sge, %add3A_90, %ge3A : i32
      %convert_element_type3A_98 = arith.extui %ge3A_97 : i1 to i32
      %cond3A_99 = arith.constant 0 : i32
      %cond3A_100 = arith.constant 0 : i32
      %cond3A_101 = arith.cmpi ne, %convert_element_type3A_98, %cond3A_100 : i32
      scf.if %cond3A_101 {
        %dma_start3A = arith.constant 0 : i32
        %dma_start3A_140 = arith.constant 0 : i32
        %dma_start3A_141 = tpu.memref_slice %arg12[%cond3A_99, %dma_start3A, %dma_start3A_140] : memref<4x64x128xf32, #tpu.memory_space<vmem>> -> memref<1x64x128xf32, #tpu.memory_space<vmem>>
        %dma_start3A_142 = tpu.memref_squeeze %dma_start3A_141 : memref<1x64x128xf32, #tpu.memory_space<vmem>> -> memref<64x128xf32, #tpu.memory_space<vmem>>
        %dma_start3A_143 = tpu.memref_slice %arg15[%cond3A_99] : memref<4x!tpu.dma_semaphore, #tpu.memory_space<semaphore_mem>> -> memref<1x!tpu.dma_semaphore, #tpu.memory_space<semaphore_mem>>
        %dma_start3A_144 = tpu.memref_squeeze %dma_start3A_143 : memref<1x!tpu.dma_semaphore, #tpu.memory_space<semaphore_mem>> -> memref<!tpu.dma_semaphore, #tpu.memory_space<semaphore_mem>>
        %dma_start3A_145 = arith.constant 0 : i32
        %dma_start3A_146 = arith.constant 0 : i32
        %dma_start3A_147 = tpu.memref_slice %arg12[%cond3A_99, %dma_start3A_145, %dma_start3A_146] : memref<4x64x128xf32, #tpu.memory_space<vmem>> -> memref<1x64x128xf32, #tpu.memory_space<vmem>>
        %dma_start3A_148 = tpu.memref_squeeze %dma_start3A_147 : memref<1x64x128xf32, #tpu.memory_space<vmem>> -> memref<64x128xf32, #tpu.memory_space<vmem>>
        tpu.enqueue_dma source(%arg4 : memref<64x128xf32, #tpu.memory_space<hbm>>) target(%dma_start3A_148 : memref<64x128xf32, #tpu.memory_space<vmem>>) target_semaphore(%dma_start3A_144 : memref<!tpu.dma_semaphore, #tpu.memory_space<semaphore_mem>>)
      } else {
      }
      %dma_wait3A = arith.constant 0 : i32
      %dma_wait3A_102 = arith.constant 0 : i32
      %dma_wait3A_103 = arith.constant 0 : i32
      %dma_wait3A_104 = arith.constant 0 : i32
      %dma_wait3A_105 = tpu.memref_slice %arg12[%dma_wait3A, %dma_wait3A_103, %dma_wait3A_104] : memref<4x64x128xf32, #tpu.memory_space<vmem>> -> memref<1x64x128xf32, #tpu.memory_space<vmem>>
      %dma_wait3A_106 = tpu.memref_squeeze %dma_wait3A_105 : memref<1x64x128xf32, #tpu.memory_space<vmem>> -> memref<64x128xf32, #tpu.memory_space<vmem>>
      %dma_wait3A_107 = tpu.memref_slice %arg15[%dma_wait3A_102] : memref<4x!tpu.dma_semaphore, #tpu.memory_space<semaphore_mem>> -> memref<1x!tpu.dma_semaphore, #tpu.memory_space<semaphore_mem>>
      %dma_wait3A_108 = tpu.memref_squeeze %dma_wait3A_107 : memref<1x!tpu.dma_semaphore, #tpu.memory_space<semaphore_mem>> -> memref<!tpu.dma_semaphore, #tpu.memory_space<semaphore_mem>>
      %dma_wait3A_109 = arith.constant 0 : i32
      %dma_wait3A_110 = arith.constant 0 : i32
      %dma_wait3A_111 = tpu.memref_slice %arg12[%dma_wait3A, %dma_wait3A_109, %dma_wait3A_110] : memref<4x64x128xf32, #tpu.memory_space<vmem>> -> memref<1x64x128xf32, #tpu.memory_space<vmem>>
      %dma_wait3A_112 = tpu.memref_squeeze %dma_wait3A_111 : memref<1x64x128xf32, #tpu.memory_space<vmem>> -> memref<64x128xf32, #tpu.memory_space<vmem>>
      tpu.wait_dma2 semaphore(%dma_wait3A_108 : memref<!tpu.dma_semaphore, #tpu.memory_space<semaphore_mem>>) src(%arg4 : memref<64x128xf32, #tpu.memory_space<hbm>>) dst(%dma_wait3A_112 : memref<64x128xf32, #tpu.memory_space<vmem>>)
      %broadcast_in_dim3A_113 = vector.broadcast %while3A_80 : i32 to vector<16xi32>
      %gather3A_114 = tpu.vector_load_idx %arg9[%broadcast_in_dim3A_113] : memref<256xi32, #tpu.memory_space<vmem>>[vector<16xi32>], vector<16xi32>,
      %reduce_max3A_115 = arith.constant true
      %reduce_max3A_116 = vector.broadcast %reduce_max3A_115 : i1 to vector<16xi1>
      %reduce_max3A_117 = arith.constant -2147483648 : i32
      %reduce_max3A_118 = vector.broadcast %reduce_max3A_117 : i32 to vector<16xi32>
      %reduce_max3A_119 = arith.xori %gather3A_114, %reduce_max3A_118 : vector<16xi32>
      %reduce_max3A_120 = tpu.scan <max>, %reduce_max3A_119 masked %reduce_max3A_116 : vector<16xi32>, vector<16xi1> -> vector<16xi32>
      %reduce_max3A_121 = arith.xori %reduce_max3A_120, %reduce_max3A_118 : vector<16xi32>
      %reduce_max3A_122 = vector.extract %reduce_max3A_121[15] : i32 from vector<16xi32>
      %add3A_123 = arith.addi %add3A_4, %reduce_max3A_122 : i32
      %mul3A_124 = arith.constant 128 : i32
      %mul3A_125 = arith.muli %add3A_123, %mul3A_124 : i32
      %broadcast_in_dim3A_126 = vector.broadcast %mul3A_125 : i32 to vector<16xi32>
      %broadcast_in_dim3A_127 = arith.constant 0 : i32
      %broadcast_in_dim3A_128 = vector.broadcast %broadcast_in_dim3A_127 : i32 to vector<16xi32>
      %broadcast_in_dim3A_129 = vector.broadcast %reduce_max3A_122 : i32 to vector<16xi32>
      %gather3A_130 = tpu.vector_load_idx %arg8[%broadcast_in_dim3A_129] : memref<256xi32, #tpu.memory_space<vmem>>[vector<16xi32>], vector<16xi32>,
      %reduce_max3A_131 = arith.constant true
      %reduce_max3A_132 = vector.broadcast %reduce_max3A_131 : i1 to vector<16xi1>
      %reduce_max3A_133 = arith.constant -2147483648 : i32
      %reduce_max3A_134 = vector.broadcast %reduce_max3A_133 : i32 to vector<16xi32>
      %reduce_max3A_135 = arith.xori %gather3A_130, %reduce_max3A_134 : vector<16xi32>
      %reduce_max3A_136 = tpu.scan <max>, %reduce_max3A_135 masked %reduce_max3A_132 : vector<16xi32>, vector<16xi1> -> vector<16xi32>
      %reduce_max3A_137 = arith.xori %reduce_max3A_136, %reduce_max3A_134 : vector<16xi32>
      %reduce_max3A_138 = vector.extract %reduce_max3A_137[15] : i32 from vector<16xi32>
      %while3A_139:2 = scf.while (%while3A_140 = %reduce_max3A_138, %while3A_141 = %while3A_81) : (i32, i32) -> (i32, i32) {
        %ge3A_142 = arith.constant 0 : i32
        %ge3A_143 = arith.cmpi sge, %while3A_140, %ge3A_142 : i32
        scf.condition(%ge3A_143) %while3A_140, %while3A_141 : i32, i32
      } do {
      ^bb0(%while3A_140: i32, %while3A_141: i32):
        %broadcast_in_dim3A_142 = vector.broadcast %while3A_140 : i32 to vector<16xi32>
        %gather3A_143 = tpu.vector_load_idx %arg6[%broadcast_in_dim3A_142] : memref<16384xi32, #tpu.memory_space<vmem>>[vector<16xi32>], vector<16xi32>,
        %sub3A = arith.subi %gather3A_143, %broadcast_in_dim3A_126 : vector<16xi32>
        %rem3A_144 = arith.constant 128 : i32
        %rem3A_145 = arith.remsi %while3A_141, %rem3A_144 : i32
        %add3A_146 = arith.constant 0 : i32
        %add3A_147 = vector.broadcast %add3A_146 : i32 to vector<16xi32>
        %add3A_148 = arith.addi %iota3A, %add3A_147 : vector<16xi32>
        %gather3A_149 = tpu.vector_load_idx %arg12[%broadcast_in_dim3A_128, %add3A_148, %sub3A] : memref<4x64x128xf32, #tpu.memory_space<vmem>>[vector<16xi32>, vector<16xi32>, vector<16xi32>], vector<16xf32>,
        %swap3A_150 = arith.index_cast %rem3A_145 : i32 to index
        %swap3A_151 = arith.constant 0 : index
        %swap3A_152 = tpu.vector_load %arg13[%swap3A_150, %swap3A_151] {strides = array<i32>} : memref<128x128xf32, #tpu.memory_space<vmem>>, vector<16xf32>,
        tpu.vector_store %arg13[%swap3A_150, %swap3A_151], %gather3A_149 {strides = array<i32>} : memref<128x128xf32, #tpu.memory_space<vmem>>, vector<16xf32>,
        %add3A_153 = arith.constant 16 : i32
        %add3A_154 = vector.broadcast %add3A_153 : i32 to vector<16xi32>
        %add3A_155 = arith.addi %iota3A, %add3A_154 : vector<16xi32>
        %gather3A_156 = tpu.vector_load_idx %arg12[%broadcast_in_dim3A_128, %add3A_155, %sub3A] : memref<4x64x128xf32, #tpu.memory_space<vmem>>[vector<16xi32>, vector<16xi32>, vector<16xi32>], vector<16xf32>,
        %swap3A_157 = arith.index_cast %rem3A_145 : i32 to index
        %swap3A_158 = arith.constant 16 : index
        %swap3A_159 = tpu.vector_load %arg13[%swap3A_157, %swap3A_158] {strides = array<i32>} : memref<128x128xf32, #tpu.memory_space<vmem>>, vector<16xf32>,
        tpu.vector_store %arg13[%swap3A_157, %swap3A_158], %gather3A_156 {strides = array<i32>} : memref<128x128xf32, #tpu.memory_space<vmem>>, vector<16xf32>,
        %add3A_160 = arith.constant 32 : i32
        %add3A_161 = vector.broadcast %add3A_160 : i32 to vector<16xi32>
        %add3A_162 = arith.addi %iota3A, %add3A_161 : vector<16xi32>
        %gather3A_163 = tpu.vector_load_idx %arg12[%broadcast_in_dim3A_128, %add3A_162, %sub3A] : memref<4x64x128xf32, #tpu.memory_space<vmem>>[vector<16xi32>, vector<16xi32>, vector<16xi32>], vector<16xf32>,
        %swap3A_164 = arith.index_cast %rem3A_145 : i32 to index
        %swap3A_165 = arith.constant 32 : index
        %swap3A_166 = tpu.vector_load %arg13[%swap3A_164, %swap3A_165] {strides = array<i32>} : memref<128x128xf32, #tpu.memory_space<vmem>>, vector<16xf32>,
        tpu.vector_store %arg13[%swap3A_164, %swap3A_165], %gather3A_163 {strides = array<i32>} : memref<128x128xf32, #tpu.memory_space<vmem>>, vector<16xf32>,
        %add3A_167 = arith.constant 48 : i32
        %add3A_168 = vector.broadcast %add3A_167 : i32 to vector<16xi32>
        %add3A_169 = arith.addi %iota3A, %add3A_168 : vector<16xi32>
        %gather3A_170 = tpu.vector_load_idx %arg12[%broadcast_in_dim3A_128, %add3A_169, %sub3A] : memref<4x64x128xf32, #tpu.memory_space<vmem>>[vector<16xi32>, vector<16xi32>, vector<16xi32>], vector<16xf32>,
        %swap3A_171 = arith.index_cast %rem3A_145 : i32 to index
        %swap3A_172 = arith.constant 48 : index
        %swap3A_173 = tpu.vector_load %arg13[%swap3A_171, %swap3A_172] {strides = array<i32>} : memref<128x128xf32, #tpu.memory_space<vmem>>, vector<16xf32>,
        tpu.vector_store %arg13[%swap3A_171, %swap3A_172], %gather3A_170 {strides = array<i32>} : memref<128x128xf32, #tpu.memory_space<vmem>>, vector<16xf32>,
        %div3A = arith.constant 128 : i32
        %div3A_174 = arith.divsi %while3A_141, %div3A : i32
        %broadcast_in_dim3A_175 = vector.broadcast %div3A_174 : i32 to vector<16xi32>
        %broadcast_in_dim3A_176 = vector.broadcast %rem3A_145 : i32 to vector<16xi32>
        %lt3A_177 = arith.constant 1 : i32
        %lt3A_178 = vector.broadcast %lt3A_177 : i32 to vector<16xi32>
        %lt3A_179 = arith.cmpi slt, %iota3A, %lt3A_178 : vector<16xi32>
        tpu.vector_store_idx %arg14[%broadcast_in_dim3A_175, %broadcast_in_dim3A_176], %broadcast_in_dim3A_142 masked %lt3A_179 : memref<128x128xi32, #tpu.memory_space<vmem>>[vector<16xi32>, vector<16xi32>], vector<16xi32>, vector<16xi1>
        %eq3A_180 = arith.constant 127 : i32
        %eq3A_181 = arith.cmpi eq, %rem3A_145, %eq3A_180 : i32
        %convert_element_type3A_182 = arith.extui %eq3A_181 : i1 to i32
        %cond3A_183 = arith.constant 0 : i32
        %cond3A_184 = arith.cmpi ne, %convert_element_type3A_182, %cond3A_183 : i32
        scf.if %cond3A_184 {
          %div3A_196 = arith.constant 128 : i32
          %div3A_197 = arith.divsi %while3A_141, %div3A_196 : i32
          %dma_start3A = arith.constant 0 : i32
          %dma_start3A_198 = tpu.memref_slice %arg14[%div3A_197, %dma_start3A] : memref<128x128xi32, #tpu.memory_space<vmem>> -> memref<1x128xi32, #tpu.memory_space<vmem>>
          %dma_start3A_199 = tpu.memref_squeeze %dma_start3A_198 : memref<1x128xi32, #tpu.memory_space<vmem>> -> memref<128xi32, #tpu.memory_space<vmem>>
          %dma_start3A_200 = arith.constant 0 : i32
          %dma_start3A_201 = arith.constant 0 : i32
          %dma_start3A_202 = tpu.memref_slice %arg5[%dma_start3A_200, %dma_start3A_201] : memref<16512x128xf32, #tpu.memory_space<hbm>> -> memref<16512x128xf32, #tpu.memory_space<hbm>>
          tpu.enqueue_indirect_dma source(%arg13 : memref<128x128xf32, #tpu.memory_space<vmem>>) target(%dma_start3A_202 : memref<16512x128xf32, #tpu.memory_space<hbm>>) offsets(%dma_start3A_199 : memref<128xi32, #tpu.memory_space<vmem>>) semaphore(%arg16 : memref<!tpu.dma_semaphore, #tpu.memory_space<semaphore_mem>>)
          %dma_wait3A_203 = arith.constant 0 : i32
          %dma_wait3A_204 = tpu.memref_slice %arg14[%div3A_197, %dma_wait3A_203] : memref<128x128xi32, #tpu.memory_space<vmem>> -> memref<1x128xi32, #tpu.memory_space<vmem>>
          %dma_wait3A_205 = tpu.memref_squeeze %dma_wait3A_204 : memref<1x128xi32, #tpu.memory_space<vmem>> -> memref<128xi32, #tpu.memory_space<vmem>>
          %dma_wait3A_206 = arith.constant 0 : i32
          %dma_wait3A_207 = arith.constant 0 : i32
          %dma_wait3A_208 = tpu.memref_slice %arg5[%dma_wait3A_206, %dma_wait3A_207] : memref<16512x128xf32, #tpu.memory_space<hbm>> -> memref<16512x128xf32, #tpu.memory_space<hbm>>
          tpu.wait_indirect_dma semaphore(%arg16 : memref<!tpu.dma_semaphore, #tpu.memory_space<semaphore_mem>>) src(%arg13 : memref<128x128xf32, #tpu.memory_space<vmem>>) dst(%dma_wait3A_208 : memref<16512x128xf32, #tpu.memory_space<hbm>>)
        } else {
        }
        %gather3A_185 = tpu.vector_load_idx %arg7[%broadcast_in_dim3A_142] : memref<16384xi32, #tpu.memory_space<vmem>>[vector<16xi32>], vector<16xi32>,
        %reduce_max3A_186 = arith.constant true
        %reduce_max3A_187 = vector.broadcast %reduce_max3A_186 : i1 to vector<16xi1>
        %reduce_max3A_188 = arith.constant -2147483648 : i32
        %reduce_max3A_189 = vector.broadcast %reduce_max3A_188 : i32 to vector<16xi32>
        %reduce_max3A_190 = arith.xori %gather3A_185, %reduce_max3A_189 : vector<16xi32>
        %reduce_max3A_191 = tpu.scan <max>, %reduce_max3A_190 masked %reduce_max3A_187 : vector<16xi32>, vector<16xi1> -> vector<16xi32>
        %reduce_max3A_192 = arith.xori %reduce_max3A_191, %reduce_max3A_189 : vector<16xi32>
        %reduce_max3A_193 = vector.extract %reduce_max3A_192[15] : i32 from vector<16xi32>
        %add3A_194 = arith.constant 1 : i32
        %add3A_195 = arith.addi %while3A_141, %add3A_194 : i32
        scf.yield %reduce_max3A_193, %add3A_195 : i32, i32
      }
      scf.yield %while3A_139#1 : i32
    }
    %while3A_75 = arith.constant 1 : i32
    %while3A_76 = scf.for %while3A_80 = %while3A_72 to %while3A_68 step %while3A_75 iter_args(%while3A_81 = %while3A_74) -> (i32)  : i32 {
      %broadcast_in_dim3A_82 = vector.broadcast %while3A_80 : i32 to vector<16xi32>
      %gather3A = tpu.vector_load_idx %arg9[%broadcast_in_dim3A_82] : memref<256xi32, #tpu.memory_space<vmem>>[vector<16xi32>], vector<16xi32>,
      %reduce_max3A = arith.constant true
      %reduce_max3A_83 = vector.broadcast %reduce_max3A : i1 to vector<16xi1>
      %reduce_max3A_84 = arith.constant -2147483648 : i32
      %reduce_max3A_85 = vector.broadcast %reduce_max3A_84 : i32 to vector<16xi32>
      %reduce_max3A_86 = arith.xori %gather3A, %reduce_max3A_85 : vector<16xi32>
      %reduce_max3A_87 = tpu.scan <max>, %reduce_max3A_86 masked %reduce_max3A_83 : vector<16xi32>, vector<16xi1> -> vector<16xi32>
      %reduce_max3A_88 = arith.xori %reduce_max3A_87, %reduce_max3A_85 : vector<16xi32>
      %reduce_max3A_89 = vector.extract %reduce_max3A_88[15] : i32 from vector<16xi32>
      %add3A_90 = arith.addi %add3A_4, %reduce_max3A_89 : i32
      %lt3A_91 = arith.constant 7812 : i32
      %lt3A_92 = arith.cmpi slt, %add3A_90, %lt3A_91 : i32
      %convert_element_type3A_93 = arith.extui %lt3A_92 : i1 to i32
      %cond3A_94 = arith.constant 0 : i32
      %cond3A_95 = arith.constant 0 : i32
      %cond3A_96 = arith.cmpi ne, %convert_element_type3A_93, %cond3A_95 : i32
      scf.if %cond3A_96 {
        %mul3A_140 = arith.constant 128 : i32
        %mul3A_141 = arith.muli %add3A_90, %mul3A_140 : i32
        %multiple_of3A = tpu.assume_multiple %mul3A_141, 128 : i32
        %dma_start3A = arith.constant 0 : i32
        %dma_start3A_142 = arith.constant 0 : i32
        %dma_start3A_143 = tpu.memref_slice %arg12[%cond3A_94, %dma_start3A, %dma_start3A_142] : memref<4x64x128xf32, #tpu.memory_space<vmem>> -> memref<1x64x128xf32, #tpu.memory_space<vmem>>
        %dma_start3A_144 = tpu.memref_squeeze %dma_start3A_143 : memref<1x64x128xf32, #tpu.memory_space<vmem>> -> memref<64x128xf32, #tpu.memory_space<vmem>>
        %dma_start3A_145 = arith.constant 0 : i32
        %dma_start3A_146 = arith.constant 0 : i32
        %dma_start3A_147 = tpu.memref_slice %dma_start3A_144[%dma_start3A_145, %dma_start3A_146] : memref<64x128xf32, #tpu.memory_space<vmem>> -> memref<8x128xf32, #tpu.memory_space<vmem>>
        %dma_start3A_148 = arith.constant 0 : i32
        %dma_start3A_149 = tpu.memref_slice %arg3[%dma_start3A_148, %multiple_of3A] : memref<64x1000000xf32, #tpu.memory_space<hbm>> -> memref<8x128xf32, #tpu.memory_space<hbm>>
        %dma_start3A_150 = tpu.memref_slice %arg15[%cond3A_94] : memref<4x!tpu.dma_semaphore, #tpu.memory_space<semaphore_mem>> -> memref<1x!tpu.dma_semaphore, #tpu.memory_space<semaphore_mem>>
        %dma_start3A_151 = tpu.memref_squeeze %dma_start3A_150 : memref<1x!tpu.dma_semaphore, #tpu.memory_space<semaphore_mem>> -> memref<!tpu.dma_semaphore, #tpu.memory_space<semaphore_mem>>
        %dma_start3A_152 = arith.constant 0 : i32
        %dma_start3A_153 = arith.constant 0 : i32
        %dma_start3A_154 = tpu.memref_slice %arg12[%cond3A_94, %dma_start3A_152, %dma_start3A_153] : memref<4x64x128xf32, #tpu.memory_space<vmem>> -> memref<1x64x128xf32, #tpu.memory_space<vmem>>
        %dma_start3A_155 = tpu.memref_squeeze %dma_start3A_154 : memref<1x64x128xf32, #tpu.memory_space<vmem>> -> memref<64x128xf32, #tpu.memory_space<vmem>>
        %dma_start3A_156 = arith.constant 0 : i32
        %dma_start3A_157 = arith.constant 0 : i32
        %dma_start3A_158 = tpu.memref_slice %dma_start3A_155[%dma_start3A_156, %dma_start3A_157] : memref<64x128xf32, #tpu.memory_space<vmem>> -> memref<8x128xf32, #tpu.memory_space<vmem>>
        %dma_start3A_159 = arith.constant 0 : i32
        %dma_start3A_160 = tpu.memref_slice %arg3[%dma_start3A_159, %multiple_of3A] : memref<64x1000000xf32, #tpu.memory_space<hbm>> -> memref<8x128xf32, #tpu.memory_space<hbm>>
        tpu.enqueue_dma source(%dma_start3A_160 : memref<8x128xf32, #tpu.memory_space<hbm>>) target(%dma_start3A_158 : memref<8x128xf32, #tpu.memory_space<vmem>>) target_semaphore(%dma_start3A_151 : memref<!tpu.dma_semaphore, #tpu.memory_space<semaphore_mem>>)
        %mul3A_161 = arith.constant 128 : i32
        %mul3A_162 = arith.muli %add3A_90, %mul3A_161 : i32
        %multiple_of3A_163 = tpu.assume_multiple %mul3A_162, 128 : i32
        %dma_start3A_164 = arith.constant 0 : i32
        %dma_start3A_165 = arith.constant 0 : i32
        %dma_start3A_166 = tpu.memref_slice %arg12[%cond3A_94, %dma_start3A_164, %dma_start3A_165] : memref<4x64x128xf32, #tpu.memory_space<vmem>> -> memref<1x64x128xf32, #tpu.memory_space<vmem>>
        %dma_start3A_167 = tpu.memref_squeeze %dma_start3A_166 : memref<1x64x128xf32, #tpu.memory_space<vmem>> -> memref<64x128xf32, #tpu.memory_space<vmem>>
        %dma_start3A_168 = arith.constant 8 : i32
        %dma_start3A_169 = arith.constant 0 : i32
        %dma_start3A_170 = tpu.memref_slice %dma_start3A_167[%dma_start3A_168, %dma_start3A_169] : memref<64x128xf32, #tpu.memory_space<vmem>> -> memref<8x128xf32, #tpu.memory_space<vmem>>
        %dma_start3A_171 = arith.constant 8 : i32
        %dma_start3A_172 = tpu.memref_slice %arg3[%dma_start3A_171, %multiple_of3A_163] : memref<64x1000000xf32, #tpu.memory_space<hbm>> -> memref<8x128xf32, #tpu.memory_space<hbm>>
        %dma_start3A_173 = tpu.memref_slice %arg15[%cond3A_94] : memref<4x!tpu.dma_semaphore, #tpu.memory_space<semaphore_mem>> -> memref<1x!tpu.dma_semaphore, #tpu.memory_space<semaphore_mem>>
        %dma_start3A_174 = tpu.memref_squeeze %dma_start3A_173 : memref<1x!tpu.dma_semaphore, #tpu.memory_space<semaphore_mem>> -> memref<!tpu.dma_semaphore, #tpu.memory_space<semaphore_mem>>
        %dma_start3A_175 = arith.constant 0 : i32
        %dma_start3A_176 = arith.constant 0 : i32
        %dma_start3A_177 = tpu.memref_slice %arg12[%cond3A_94, %dma_start3A_175, %dma_start3A_176] : memref<4x64x128xf32, #tpu.memory_space<vmem>> -> memref<1x64x128xf32, #tpu.memory_space<vmem>>
        %dma_start3A_178 = tpu.memref_squeeze %dma_start3A_177 : memref<1x64x128xf32, #tpu.memory_space<vmem>> -> memref<64x128xf32, #tpu.memory_space<vmem>>
        %dma_start3A_179 = arith.constant 8 : i32
        %dma_start3A_180 = arith.constant 0 : i32
        %dma_start3A_181 = tpu.memref_slice %dma_start3A_178[%dma_start3A_179, %dma_start3A_180] : memref<64x128xf32, #tpu.memory_space<vmem>> -> memref<8x128xf32, #tpu.memory_space<vmem>>
        %dma_start3A_182 = arith.constant 8 : i32
        %dma_start3A_183 = tpu.memref_slice %arg3[%dma_start3A_182, %multiple_of3A_163] : memref<64x1000000xf32, #tpu.memory_space<hbm>> -> memref<8x128xf32, #tpu.memory_space<hbm>>
        tpu.enqueue_dma source(%dma_start3A_183 : memref<8x128xf32, #tpu.memory_space<hbm>>) target(%dma_start3A_181 : memref<8x128xf32, #tpu.memory_space<vmem>>) target_semaphore(%dma_start3A_174 : memref<!tpu.dma_semaphore, #tpu.memory_space<semaphore_mem>>)
        %mul3A_184 = arith.constant 128 : i32
        %mul3A_185 = arith.muli %add3A_90, %mul3A_184 : i32
        %multiple_of3A_186 = tpu.assume_multiple %mul3A_185, 128 : i32
        %dma_start3A_187 = arith.constant 0 : i32
        %dma_start3A_188 = arith.constant 0 : i32
        %dma_start3A_189 = tpu.memref_slice %arg12[%cond3A_94, %dma_start3A_187, %dma_start3A_188] : memref<4x64x128xf32, #tpu.memory_space<vmem>> -> memref<1x64x128xf32, #tpu.memory_space<vmem>>
        %dma_start3A_190 = tpu.memref_squeeze %dma_start3A_189 : memref<1x64x128xf32, #tpu.memory_space<vmem>> -> memref<64x128xf32, #tpu.memory_space<vmem>>
        %dma_start3A_191 = arith.constant 16 : i32
        %dma_start3A_192 = arith.constant 0 : i32
        %dma_start3A_193 = tpu.memref_slice %dma_start3A_190[%dma_start3A_191, %dma_start3A_192] : memref<64x128xf32, #tpu.memory_space<vmem>> -> memref<8x128xf32, #tpu.memory_space<vmem>>
        %dma_start3A_194 = arith.constant 16 : i32
        %dma_start3A_195 = tpu.memref_slice %arg3[%dma_start3A_194, %multiple_of3A_186] : memref<64x1000000xf32, #tpu.memory_space<hbm>> -> memref<8x128xf32, #tpu.memory_space<hbm>>
        %dma_start3A_196 = tpu.memref_slice %arg15[%cond3A_94] : memref<4x!tpu.dma_semaphore, #tpu.memory_space<semaphore_mem>> -> memref<1x!tpu.dma_semaphore, #tpu.memory_space<semaphore_mem>>
        %dma_start3A_197 = tpu.memref_squeeze %dma_start3A_196 : memref<1x!tpu.dma_semaphore, #tpu.memory_space<semaphore_mem>> -> memref<!tpu.dma_semaphore, #tpu.memory_space<semaphore_mem>>
        %dma_start3A_198 = arith.constant 0 : i32
        %dma_start3A_199 = arith.constant 0 : i32
        %dma_start3A_200 = tpu.memref_slice %arg12[%cond3A_94, %dma_start3A_198, %dma_start3A_199] : memref<4x64x128xf32, #tpu.memory_space<vmem>> -> memref<1x64x128xf32, #tpu.memory_space<vmem>>
        %dma_start3A_201 = tpu.memref_squeeze %dma_start3A_200 : memref<1x64x128xf32, #tpu.memory_space<vmem>> -> memref<64x128xf32, #tpu.memory_space<vmem>>
        %dma_start3A_202 = arith.constant 16 : i32
        %dma_start3A_203 = arith.constant 0 : i32
        %dma_start3A_204 = tpu.memref_slice %dma_start3A_201[%dma_start3A_202, %dma_start3A_203] : memref<64x128xf32, #tpu.memory_space<vmem>> -> memref<8x128xf32, #tpu.memory_space<vmem>>
        %dma_start3A_205 = arith.constant 16 : i32
        %dma_start3A_206 = tpu.memref_slice %arg3[%dma_start3A_205, %multiple_of3A_186] : memref<64x1000000xf32, #tpu.memory_space<hbm>> -> memref<8x128xf32, #tpu.memory_space<hbm>>
        tpu.enqueue_dma source(%dma_start3A_206 : memref<8x128xf32, #tpu.memory_space<hbm>>) target(%dma_start3A_204 : memref<8x128xf32, #tpu.memory_space<vmem>>) target_semaphore(%dma_start3A_197 : memref<!tpu.dma_semaphore, #tpu.memory_space<semaphore_mem>>)
        %mul3A_207 = arith.constant 128 : i32
        %mul3A_208 = arith.muli %add3A_90, %mul3A_207 : i32
        %multiple_of3A_209 = tpu.assume_multiple %mul3A_208, 128 : i32
        %dma_start3A_210 = arith.constant 0 : i32
        %dma_start3A_211 = arith.constant 0 : i32
        %dma_start3A_212 = tpu.memref_slice %arg12[%cond3A_94, %dma_start3A_210, %dma_start3A_211] : memref<4x64x128xf32, #tpu.memory_space<vmem>> -> memref<1x64x128xf32, #tpu.memory_space<vmem>>
        %dma_start3A_213 = tpu.memref_squeeze %dma_start3A_212 : memref<1x64x128xf32, #tpu.memory_space<vmem>> -> memref<64x128xf32, #tpu.memory_space<vmem>>
        %dma_start3A_214 = arith.constant 24 : i32
        %dma_start3A_215 = arith.constant 0 : i32
        %dma_start3A_216 = tpu.memref_slice %dma_start3A_213[%dma_start3A_214, %dma_start3A_215] : memref<64x128xf32, #tpu.memory_space<vmem>> -> memref<8x128xf32, #tpu.memory_space<vmem>>
        %dma_start3A_217 = arith.constant 24 : i32
        %dma_start3A_218 = tpu.memref_slice %arg3[%dma_start3A_217, %multiple_of3A_209] : memref<64x1000000xf32, #tpu.memory_space<hbm>> -> memref<8x128xf32, #tpu.memory_space<hbm>>
        %dma_start3A_219 = tpu.memref_slice %arg15[%cond3A_94] : memref<4x!tpu.dma_semaphore, #tpu.memory_space<semaphore_mem>> -> memref<1x!tpu.dma_semaphore, #tpu.memory_space<semaphore_mem>>
        %dma_start3A_220 = tpu.memref_squeeze %dma_start3A_219 : memref<1x!tpu.dma_semaphore, #tpu.memory_space<semaphore_mem>> -> memref<!tpu.dma_semaphore, #tpu.memory_space<semaphore_mem>>
        %dma_start3A_221 = arith.constant 0 : i32
        %dma_start3A_222 = arith.constant 0 : i32
        %dma_start3A_223 = tpu.memref_slice %arg12[%cond3A_94, %dma_start3A_221, %dma_start3A_222] : memref<4x64x128xf32, #tpu.memory_space<vmem>> -> memref<1x64x128xf32, #tpu.memory_space<vmem>>
        %dma_start3A_224 = tpu.memref_squeeze %dma_start3A_223 : memref<1x64x128xf32, #tpu.memory_space<vmem>> -> memref<64x128xf32, #tpu.memory_space<vmem>>
        %dma_start3A_225 = arith.constant 24 : i32
        %dma_start3A_226 = arith.constant 0 : i32
        %dma_start3A_227 = tpu.memref_slice %dma_start3A_224[%dma_start3A_225, %dma_start3A_226] : memref<64x128xf32, #tpu.memory_space<vmem>> -> memref<8x128xf32, #tpu.memory_space<vmem>>
        %dma_start3A_228 = arith.constant 24 : i32
        %dma_start3A_229 = tpu.memref_slice %arg3[%dma_start3A_228, %multiple_of3A_209] : memref<64x1000000xf32, #tpu.memory_space<hbm>> -> memref<8x128xf32, #tpu.memory_space<hbm>>
        tpu.enqueue_dma source(%dma_start3A_229 : memref<8x128xf32, #tpu.memory_space<hbm>>) target(%dma_start3A_227 : memref<8x128xf32, #tpu.memory_space<vmem>>) target_semaphore(%dma_start3A_220 : memref<!tpu.dma_semaphore, #tpu.memory_space<semaphore_mem>>)
        %mul3A_230 = arith.constant 128 : i32
        %mul3A_231 = arith.muli %add3A_90, %mul3A_230 : i32
        %multiple_of3A_232 = tpu.assume_multiple %mul3A_231, 128 : i32
        %dma_start3A_233 = arith.constant 0 : i32
        %dma_start3A_234 = arith.constant 0 : i32
        %dma_start3A_235 = tpu.memref_slice %arg12[%cond3A_94, %dma_start3A_233, %dma_start3A_234] : memref<4x64x128xf32, #tpu.memory_space<vmem>> -> memref<1x64x128xf32, #tpu.memory_space<vmem>>
        %dma_start3A_236 = tpu.memref_squeeze %dma_start3A_235 : memref<1x64x128xf32, #tpu.memory_space<vmem>> -> memref<64x128xf32, #tpu.memory_space<vmem>>
        %dma_start3A_237 = arith.constant 32 : i32
        %dma_start3A_238 = arith.constant 0 : i32
        %dma_start3A_239 = tpu.memref_slice %dma_start3A_236[%dma_start3A_237, %dma_start3A_238] : memref<64x128xf32, #tpu.memory_space<vmem>> -> memref<8x128xf32, #tpu.memory_space<vmem>>
        %dma_start3A_240 = arith.constant 32 : i32
        %dma_start3A_241 = tpu.memref_slice %arg3[%dma_start3A_240, %multiple_of3A_232] : memref<64x1000000xf32, #tpu.memory_space<hbm>> -> memref<8x128xf32, #tpu.memory_space<hbm>>
        %dma_start3A_242 = tpu.memref_slice %arg15[%cond3A_94] : memref<4x!tpu.dma_semaphore, #tpu.memory_space<semaphore_mem>> -> memref<1x!tpu.dma_semaphore, #tpu.memory_space<semaphore_mem>>
        %dma_start3A_243 = tpu.memref_squeeze %dma_start3A_242 : memref<1x!tpu.dma_semaphore, #tpu.memory_space<semaphore_mem>> -> memref<!tpu.dma_semaphore, #tpu.memory_space<semaphore_mem>>
        %dma_start3A_244 = arith.constant 0 : i32
        %dma_start3A_245 = arith.constant 0 : i32
        %dma_start3A_246 = tpu.memref_slice %arg12[%cond3A_94, %dma_start3A_244, %dma_start3A_245] : memref<4x64x128xf32, #tpu.memory_space<vmem>> -> memref<1x64x128xf32, #tpu.memory_space<vmem>>
        %dma_start3A_247 = tpu.memref_squeeze %dma_start3A_246 : memref<1x64x128xf32, #tpu.memory_space<vmem>> -> memref<64x128xf32, #tpu.memory_space<vmem>>
        %dma_start3A_248 = arith.constant 32 : i32
        %dma_start3A_249 = arith.constant 0 : i32
        %dma_start3A_250 = tpu.memref_slice %dma_start3A_247[%dma_start3A_248, %dma_start3A_249] : memref<64x128xf32, #tpu.memory_space<vmem>> -> memref<8x128xf32, #tpu.memory_space<vmem>>
        %dma_start3A_251 = arith.constant 32 : i32
        %dma_start3A_252 = tpu.memref_slice %arg3[%dma_start3A_251, %multiple_of3A_232] : memref<64x1000000xf32, #tpu.memory_space<hbm>> -> memref<8x128xf32, #tpu.memory_space<hbm>>
        tpu.enqueue_dma source(%dma_start3A_252 : memref<8x128xf32, #tpu.memory_space<hbm>>) target(%dma_start3A_250 : memref<8x128xf32, #tpu.memory_space<vmem>>) target_semaphore(%dma_start3A_243 : memref<!tpu.dma_semaphore, #tpu.memory_space<semaphore_mem>>)
        %mul3A_253 = arith.constant 128 : i32
        %mul3A_254 = arith.muli %add3A_90, %mul3A_253 : i32
        %multiple_of3A_255 = tpu.assume_multiple %mul3A_254, 128 : i32
        %dma_start3A_256 = arith.constant 0 : i32
        %dma_start3A_257 = arith.constant 0 : i32
        %dma_start3A_258 = tpu.memref_slice %arg12[%cond3A_94, %dma_start3A_256, %dma_start3A_257] : memref<4x64x128xf32, #tpu.memory_space<vmem>> -> memref<1x64x128xf32, #tpu.memory_space<vmem>>
        %dma_start3A_259 = tpu.memref_squeeze %dma_start3A_258 : memref<1x64x128xf32, #tpu.memory_space<vmem>> -> memref<64x128xf32, #tpu.memory_space<vmem>>
        %dma_start3A_260 = arith.constant 40 : i32
        %dma_start3A_261 = arith.constant 0 : i32
        %dma_start3A_262 = tpu.memref_slice %dma_start3A_259[%dma_start3A_260, %dma_start3A_261] : memref<64x128xf32, #tpu.memory_space<vmem>> -> memref<8x128xf32, #tpu.memory_space<vmem>>
        %dma_start3A_263 = arith.constant 40 : i32
        %dma_start3A_264 = tpu.memref_slice %arg3[%dma_start3A_263, %multiple_of3A_255] : memref<64x1000000xf32, #tpu.memory_space<hbm>> -> memref<8x128xf32, #tpu.memory_space<hbm>>
        %dma_start3A_265 = tpu.memref_slice %arg15[%cond3A_94] : memref<4x!tpu.dma_semaphore, #tpu.memory_space<semaphore_mem>> -> memref<1x!tpu.dma_semaphore, #tpu.memory_space<semaphore_mem>>
        %dma_start3A_266 = tpu.memref_squeeze %dma_start3A_265 : memref<1x!tpu.dma_semaphore, #tpu.memory_space<semaphore_mem>> -> memref<!tpu.dma_semaphore, #tpu.memory_space<semaphore_mem>>
        %dma_start3A_267 = arith.constant 0 : i32
        %dma_start3A_268 = arith.constant 0 : i32
        %dma_start3A_269 = tpu.memref_slice %arg12[%cond3A_94, %dma_start3A_267, %dma_start3A_268] : memref<4x64x128xf32, #tpu.memory_space<vmem>> -> memref<1x64x128xf32, #tpu.memory_space<vmem>>
        %dma_start3A_270 = tpu.memref_squeeze %dma_start3A_269 : memref<1x64x128xf32, #tpu.memory_space<vmem>> -> memref<64x128xf32, #tpu.memory_space<vmem>>
        %dma_start3A_271 = arith.constant 40 : i32
        %dma_start3A_272 = arith.constant 0 : i32
        %dma_start3A_273 = tpu.memref_slice %dma_start3A_270[%dma_start3A_271, %dma_start3A_272] : memref<64x128xf32, #tpu.memory_space<vmem>> -> memref<8x128xf32, #tpu.memory_space<vmem>>
        %dma_start3A_274 = arith.constant 40 : i32
        %dma_start3A_275 = tpu.memref_slice %arg3[%dma_start3A_274, %multiple_of3A_255] : memref<64x1000000xf32, #tpu.memory_space<hbm>> -> memref<8x128xf32, #tpu.memory_space<hbm>>
        tpu.enqueue_dma source(%dma_start3A_275 : memref<8x128xf32, #tpu.memory_space<hbm>>) target(%dma_start3A_273 : memref<8x128xf32, #tpu.memory_space<vmem>>) target_semaphore(%dma_start3A_266 : memref<!tpu.dma_semaphore, #tpu.memory_space<semaphore_mem>>)
        %mul3A_276 = arith.constant 128 : i32
        %mul3A_277 = arith.muli %add3A_90, %mul3A_276 : i32
        %multiple_of3A_278 = tpu.assume_multiple %mul3A_277, 128 : i32
        %dma_start3A_279 = arith.constant 0 : i32
        %dma_start3A_280 = arith.constant 0 : i32
        %dma_start3A_281 = tpu.memref_slice %arg12[%cond3A_94, %dma_start3A_279, %dma_start3A_280] : memref<4x64x128xf32, #tpu.memory_space<vmem>> -> memref<1x64x128xf32, #tpu.memory_space<vmem>>
        %dma_start3A_282 = tpu.memref_squeeze %dma_start3A_281 : memref<1x64x128xf32, #tpu.memory_space<vmem>> -> memref<64x128xf32, #tpu.memory_space<vmem>>
        %dma_start3A_283 = arith.constant 48 : i32
        %dma_start3A_284 = arith.constant 0 : i32
        %dma_start3A_285 = tpu.memref_slice %dma_start3A_282[%dma_start3A_283, %dma_start3A_284] : memref<64x128xf32, #tpu.memory_space<vmem>> -> memref<8x128xf32, #tpu.memory_space<vmem>>
        %dma_start3A_286 = arith.constant 48 : i32
        %dma_start3A_287 = tpu.memref_slice %arg3[%dma_start3A_286, %multiple_of3A_278] : memref<64x1000000xf32, #tpu.memory_space<hbm>> -> memref<8x128xf32, #tpu.memory_space<hbm>>
        %dma_start3A_288 = tpu.memref_slice %arg15[%cond3A_94] : memref<4x!tpu.dma_semaphore, #tpu.memory_space<semaphore_mem>> -> memref<1x!tpu.dma_semaphore, #tpu.memory_space<semaphore_mem>>
        %dma_start3A_289 = tpu.memref_squeeze %dma_start3A_288 : memref<1x!tpu.dma_semaphore, #tpu.memory_space<semaphore_mem>> -> memref<!tpu.dma_semaphore, #tpu.memory_space<semaphore_mem>>
        %dma_start3A_290 = arith.constant 0 : i32
        %dma_start3A_291 = arith.constant 0 : i32
        %dma_start3A_292 = tpu.memref_slice %arg12[%cond3A_94, %dma_start3A_290, %dma_start3A_291] : memref<4x64x128xf32, #tpu.memory_space<vmem>> -> memref<1x64x128xf32, #tpu.memory_space<vmem>>
        %dma_start3A_293 = tpu.memref_squeeze %dma_start3A_292 : memref<1x64x128xf32, #tpu.memory_space<vmem>> -> memref<64x128xf32, #tpu.memory_space<vmem>>
        %dma_start3A_294 = arith.constant 48 : i32
        %dma_start3A_295 = arith.constant 0 : i32
        %dma_start3A_296 = tpu.memref_slice %dma_start3A_293[%dma_start3A_294, %dma_start3A_295] : memref<64x128xf32, #tpu.memory_space<vmem>> -> memref<8x128xf32, #tpu.memory_space<vmem>>
        %dma_start3A_297 = arith.constant 48 : i32
        %dma_start3A_298 = tpu.memref_slice %arg3[%dma_start3A_297, %multiple_of3A_278] : memref<64x1000000xf32, #tpu.memory_space<hbm>> -> memref<8x128xf32, #tpu.memory_space<hbm>>
        tpu.enqueue_dma source(%dma_start3A_298 : memref<8x128xf32, #tpu.memory_space<hbm>>) target(%dma_start3A_296 : memref<8x128xf32, #tpu.memory_space<vmem>>) target_semaphore(%dma_start3A_289 : memref<!tpu.dma_semaphore, #tpu.memory_space<semaphore_mem>>)
        %mul3A_299 = arith.constant 128 : i32
        %mul3A_300 = arith.muli %add3A_90, %mul3A_299 : i32
        %multiple_of3A_301 = tpu.assume_multiple %mul3A_300, 128 : i32
        %dma_start3A_302 = arith.constant 0 : i32
        %dma_start3A_303 = arith.constant 0 : i32
        %dma_start3A_304 = tpu.memref_slice %arg12[%cond3A_94, %dma_start3A_302, %dma_start3A_303] : memref<4x64x128xf32, #tpu.memory_space<vmem>> -> memref<1x64x128xf32, #tpu.memory_space<vmem>>
        %dma_start3A_305 = tpu.memref_squeeze %dma_start3A_304 : memref<1x64x128xf32, #tpu.memory_space<vmem>> -> memref<64x128xf32, #tpu.memory_space<vmem>>
        %dma_start3A_306 = arith.constant 56 : i32
        %dma_start3A_307 = arith.constant 0 : i32
        %dma_start3A_308 = tpu.memref_slice %dma_start3A_305[%dma_start3A_306, %dma_start3A_307] : memref<64x128xf32, #tpu.memory_space<vmem>> -> memref<8x128xf32, #tpu.memory_space<vmem>>
        %dma_start3A_309 = arith.constant 56 : i32
        %dma_start3A_310 = tpu.memref_slice %arg3[%dma_start3A_309, %multiple_of3A_301] : memref<64x1000000xf32, #tpu.memory_space<hbm>> -> memref<8x128xf32, #tpu.memory_space<hbm>>
        %dma_start3A_311 = tpu.memref_slice %arg15[%cond3A_94] : memref<4x!tpu.dma_semaphore, #tpu.memory_space<semaphore_mem>> -> memref<1x!tpu.dma_semaphore, #tpu.memory_space<semaphore_mem>>
        %dma_start3A_312 = tpu.memref_squeeze %dma_start3A_311 : memref<1x!tpu.dma_semaphore, #tpu.memory_space<semaphore_mem>> -> memref<!tpu.dma_semaphore, #tpu.memory_space<semaphore_mem>>
        %dma_start3A_313 = arith.constant 0 : i32
        %dma_start3A_314 = arith.constant 0 : i32
        %dma_start3A_315 = tpu.memref_slice %arg12[%cond3A_94, %dma_start3A_313, %dma_start3A_314] : memref<4x64x128xf32, #tpu.memory_space<vmem>> -> memref<1x64x128xf32, #tpu.memory_space<vmem>>
        %dma_start3A_316 = tpu.memref_squeeze %dma_start3A_315 : memref<1x64x128xf32, #tpu.memory_space<vmem>> -> memref<64x128xf32, #tpu.memory_space<vmem>>
        %dma_start3A_317 = arith.constant 56 : i32
        %dma_start3A_318 = arith.constant 0 : i32
        %dma_start3A_319 = tpu.memref_slice %dma_start3A_316[%dma_start3A_317, %dma_start3A_318] : memref<64x128xf32, #tpu.memory_space<vmem>> -> memref<8x128xf32, #tpu.memory_space<vmem>>
        %dma_start3A_320 = arith.constant 56 : i32
        %dma_start3A_321 = tpu.memref_slice %arg3[%dma_start3A_320, %multiple_of3A_301] : memref<64x1000000xf32, #tpu.memory_space<hbm>> -> memref<8x128xf32, #tpu.memory_space<hbm>>
        tpu.enqueue_dma source(%dma_start3A_321 : memref<8x128xf32, #tpu.memory_space<hbm>>) target(%dma_start3A_319 : memref<8x128xf32, #tpu.memory_space<vmem>>) target_semaphore(%dma_start3A_312 : memref<!tpu.dma_semaphore, #tpu.memory_space<semaphore_mem>>)
      } else {
      }
      %ge3A = arith.constant 7812 : i32
      %ge3A_97 = arith.cmpi sge, %add3A_90, %ge3A : i32
      %convert_element_type3A_98 = arith.extui %ge3A_97 : i1 to i32
      %cond3A_99 = arith.constant 0 : i32
      %cond3A_100 = arith.constant 0 : i32
      %cond3A_101 = arith.cmpi ne, %convert_element_type3A_98, %cond3A_100 : i32
      scf.if %cond3A_101 {
        %dma_start3A = arith.constant 0 : i32
        %dma_start3A_140 = arith.constant 0 : i32
        %dma_start3A_141 = tpu.memref_slice %arg12[%cond3A_99, %dma_start3A, %dma_start3A_140] : memref<4x64x128xf32, #tpu.memory_space<vmem>> -> memref<1x64x128xf32, #tpu.memory_space<vmem>>
        %dma_start3A_142 = tpu.memref_squeeze %dma_start3A_141 : memref<1x64x128xf32, #tpu.memory_space<vmem>> -> memref<64x128xf32, #tpu.memory_space<vmem>>
        %dma_start3A_143 = tpu.memref_slice %arg15[%cond3A_99] : memref<4x!tpu.dma_semaphore, #tpu.memory_space<semaphore_mem>> -> memref<1x!tpu.dma_semaphore, #tpu.memory_space<semaphore_mem>>
        %dma_start3A_144 = tpu.memref_squeeze %dma_start3A_143 : memref<1x!tpu.dma_semaphore, #tpu.memory_space<semaphore_mem>> -> memref<!tpu.dma_semaphore, #tpu.memory_space<semaphore_mem>>
        %dma_start3A_145 = arith.constant 0 : i32
        %dma_start3A_146 = arith.constant 0 : i32
        %dma_start3A_147 = tpu.memref_slice %arg12[%cond3A_99, %dma_start3A_145, %dma_start3A_146] : memref<4x64x128xf32, #tpu.memory_space<vmem>> -> memref<1x64x128xf32, #tpu.memory_space<vmem>>
        %dma_start3A_148 = tpu.memref_squeeze %dma_start3A_147 : memref<1x64x128xf32, #tpu.memory_space<vmem>> -> memref<64x128xf32, #tpu.memory_space<vmem>>
        tpu.enqueue_dma source(%arg4 : memref<64x128xf32, #tpu.memory_space<hbm>>) target(%dma_start3A_148 : memref<64x128xf32, #tpu.memory_space<vmem>>) target_semaphore(%dma_start3A_144 : memref<!tpu.dma_semaphore, #tpu.memory_space<semaphore_mem>>)
      } else {
      }
      %dma_wait3A = arith.constant 0 : i32
      %dma_wait3A_102 = arith.constant 0 : i32
      %dma_wait3A_103 = arith.constant 0 : i32
      %dma_wait3A_104 = arith.constant 0 : i32
      %dma_wait3A_105 = tpu.memref_slice %arg12[%dma_wait3A, %dma_wait3A_103, %dma_wait3A_104] : memref<4x64x128xf32, #tpu.memory_space<vmem>> -> memref<1x64x128xf32, #tpu.memory_space<vmem>>
      %dma_wait3A_106 = tpu.memref_squeeze %dma_wait3A_105 : memref<1x64x128xf32, #tpu.memory_space<vmem>> -> memref<64x128xf32, #tpu.memory_space<vmem>>
      %dma_wait3A_107 = tpu.memref_slice %arg15[%dma_wait3A_102] : memref<4x!tpu.dma_semaphore, #tpu.memory_space<semaphore_mem>> -> memref<1x!tpu.dma_semaphore, #tpu.memory_space<semaphore_mem>>
      %dma_wait3A_108 = tpu.memref_squeeze %dma_wait3A_107 : memref<1x!tpu.dma_semaphore, #tpu.memory_space<semaphore_mem>> -> memref<!tpu.dma_semaphore, #tpu.memory_space<semaphore_mem>>
      %dma_wait3A_109 = arith.constant 0 : i32
      %dma_wait3A_110 = arith.constant 0 : i32
      %dma_wait3A_111 = tpu.memref_slice %arg12[%dma_wait3A, %dma_wait3A_109, %dma_wait3A_110] : memref<4x64x128xf32, #tpu.memory_space<vmem>> -> memref<1x64x128xf32, #tpu.memory_space<vmem>>
      %dma_wait3A_112 = tpu.memref_squeeze %dma_wait3A_111 : memref<1x64x128xf32, #tpu.memory_space<vmem>> -> memref<64x128xf32, #tpu.memory_space<vmem>>
      tpu.wait_dma2 semaphore(%dma_wait3A_108 : memref<!tpu.dma_semaphore, #tpu.memory_space<semaphore_mem>>) src(%arg4 : memref<64x128xf32, #tpu.memory_space<hbm>>) dst(%dma_wait3A_112 : memref<64x128xf32, #tpu.memory_space<vmem>>)
      %broadcast_in_dim3A_113 = vector.broadcast %while3A_80 : i32 to vector<16xi32>
      %gather3A_114 = tpu.vector_load_idx %arg9[%broadcast_in_dim3A_113] : memref<256xi32, #tpu.memory_space<vmem>>[vector<16xi32>], vector<16xi32>,
      %reduce_max3A_115 = arith.constant true
      %reduce_max3A_116 = vector.broadcast %reduce_max3A_115 : i1 to vector<16xi1>
      %reduce_max3A_117 = arith.constant -2147483648 : i32
      %reduce_max3A_118 = vector.broadcast %reduce_max3A_117 : i32 to vector<16xi32>
      %reduce_max3A_119 = arith.xori %gather3A_114, %reduce_max3A_118 : vector<16xi32>
      %reduce_max3A_120 = tpu.scan <max>, %reduce_max3A_119 masked %reduce_max3A_116 : vector<16xi32>, vector<16xi1> -> vector<16xi32>
      %reduce_max3A_121 = arith.xori %reduce_max3A_120, %reduce_max3A_118 : vector<16xi32>
      %reduce_max3A_122 = vector.extract %reduce_max3A_121[15] : i32 from vector<16xi32>
      %add3A_123 = arith.addi %add3A_4, %reduce_max3A_122 : i32
      %mul3A_124 = arith.constant 128 : i32
      %mul3A_125 = arith.muli %add3A_123, %mul3A_124 : i32
      %broadcast_in_dim3A_126 = vector.broadcast %mul3A_125 : i32 to vector<16xi32>
      %broadcast_in_dim3A_127 = arith.constant 0 : i32
      %broadcast_in_dim3A_128 = vector.broadcast %broadcast_in_dim3A_127 : i32 to vector<16xi32>
      %broadcast_in_dim3A_129 = vector.broadcast %reduce_max3A_122 : i32 to vector<16xi32>
      %gather3A_130 = tpu.vector_load_idx %arg8[%broadcast_in_dim3A_129] : memref<256xi32, #tpu.memory_space<vmem>>[vector<16xi32>], vector<16xi32>,
      %reduce_max3A_131 = arith.constant true
      %reduce_max3A_132 = vector.broadcast %reduce_max3A_131 : i1 to vector<16xi1>
      %reduce_max3A_133 = arith.constant -2147483648 : i32
      %reduce_max3A_134 = vector.broadcast %reduce_max3A_133 : i32 to vector<16xi32>
      %reduce_max3A_135 = arith.xori %gather3A_130, %reduce_max3A_134 : vector<16xi32>
      %reduce_max3A_136 = tpu.scan <max>, %reduce_max3A_135 masked %reduce_max3A_132 : vector<16xi32>, vector<16xi1> -> vector<16xi32>
      %reduce_max3A_137 = arith.xori %reduce_max3A_136, %reduce_max3A_134 : vector<16xi32>
      %reduce_max3A_138 = vector.extract %reduce_max3A_137[15] : i32 from vector<16xi32>
      %while3A_139:2 = scf.while (%while3A_140 = %reduce_max3A_138, %while3A_141 = %while3A_81) : (i32, i32) -> (i32, i32) {
        %ge3A_142 = arith.constant 0 : i32
        %ge3A_143 = arith.cmpi sge, %while3A_140, %ge3A_142 : i32
        scf.condition(%ge3A_143) %while3A_140, %while3A_141 : i32, i32
      } do {
      ^bb0(%while3A_140: i32, %while3A_141: i32):
        %broadcast_in_dim3A_142 = vector.broadcast %while3A_140 : i32 to vector<16xi32>
        %gather3A_143 = tpu.vector_load_idx %arg6[%broadcast_in_dim3A_142] : memref<16384xi32, #tpu.memory_space<vmem>>[vector<16xi32>], vector<16xi32>,
        %sub3A = arith.subi %gather3A_143, %broadcast_in_dim3A_126 : vector<16xi32>
        %rem3A_144 = arith.constant 128 : i32
        %rem3A_145 = arith.remsi %while3A_141, %rem3A_144 : i32
        %add3A_146 = arith.constant 0 : i32
        %add3A_147 = vector.broadcast %add3A_146 : i32 to vector<16xi32>
        %add3A_148 = arith.addi %iota3A, %add3A_147 : vector<16xi32>
        %gather3A_149 = tpu.vector_load_idx %arg12[%broadcast_in_dim3A_128, %add3A_148, %sub3A] : memref<4x64x128xf32, #tpu.memory_space<vmem>>[vector<16xi32>, vector<16xi32>, vector<16xi32>], vector<16xf32>,
        %swap3A_150 = arith.index_cast %rem3A_145 : i32 to index
        %swap3A_151 = arith.constant 0 : index
        %swap3A_152 = tpu.vector_load %arg13[%swap3A_150, %swap3A_151] {strides = array<i32>} : memref<128x128xf32, #tpu.memory_space<vmem>>, vector<16xf32>,
        tpu.vector_store %arg13[%swap3A_150, %swap3A_151], %gather3A_149 {strides = array<i32>} : memref<128x128xf32, #tpu.memory_space<vmem>>, vector<16xf32>,
        %add3A_153 = arith.constant 16 : i32
        %add3A_154 = vector.broadcast %add3A_153 : i32 to vector<16xi32>
        %add3A_155 = arith.addi %iota3A, %add3A_154 : vector<16xi32>
        %gather3A_156 = tpu.vector_load_idx %arg12[%broadcast_in_dim3A_128, %add3A_155, %sub3A] : memref<4x64x128xf32, #tpu.memory_space<vmem>>[vector<16xi32>, vector<16xi32>, vector<16xi32>], vector<16xf32>,
        %swap3A_157 = arith.index_cast %rem3A_145 : i32 to index
        %swap3A_158 = arith.constant 16 : index
        %swap3A_159 = tpu.vector_load %arg13[%swap3A_157, %swap3A_158] {strides = array<i32>} : memref<128x128xf32, #tpu.memory_space<vmem>>, vector<16xf32>,
        tpu.vector_store %arg13[%swap3A_157, %swap3A_158], %gather3A_156 {strides = array<i32>} : memref<128x128xf32, #tpu.memory_space<vmem>>, vector<16xf32>,
        %add3A_160 = arith.constant 32 : i32
        %add3A_161 = vector.broadcast %add3A_160 : i32 to vector<16xi32>
        %add3A_162 = arith.addi %iota3A, %add3A_161 : vector<16xi32>
        %gather3A_163 = tpu.vector_load_idx %arg12[%broadcast_in_dim3A_128, %add3A_162, %sub3A] : memref<4x64x128xf32, #tpu.memory_space<vmem>>[vector<16xi32>, vector<16xi32>, vector<16xi32>], vector<16xf32>,
        %swap3A_164 = arith.index_cast %rem3A_145 : i32 to index
        %swap3A_165 = arith.constant 32 : index
        %swap3A_166 = tpu.vector_load %arg13[%swap3A_164, %swap3A_165] {strides = array<i32>} : memref<128x128xf32, #tpu.memory_space<vmem>>, vector<16xf32>,
        tpu.vector_store %arg13[%swap3A_164, %swap3A_165], %gather3A_163 {strides = array<i32>} : memref<128x128xf32, #tpu.memory_space<vmem>>, vector<16xf32>,
        %add3A_167 = arith.constant 48 : i32
        %add3A_168 = vector.broadcast %add3A_167 : i32 to vector<16xi32>
        %add3A_169 = arith.addi %iota3A, %add3A_168 : vector<16xi32>
        %gather3A_170 = tpu.vector_load_idx %arg12[%broadcast_in_dim3A_128, %add3A_169, %sub3A] : memref<4x64x128xf32, #tpu.memory_space<vmem>>[vector<16xi32>, vector<16xi32>, vector<16xi32>], vector<16xf32>,
        %swap3A_171 = arith.index_cast %rem3A_145 : i32 to index
        %swap3A_172 = arith.constant 48 : index
        %swap3A_173 = tpu.vector_load %arg13[%swap3A_171, %swap3A_172] {strides = array<i32>} : memref<128x128xf32, #tpu.memory_space<vmem>>, vector<16xf32>,
        tpu.vector_store %arg13[%swap3A_171, %swap3A_172], %gather3A_170 {strides = array<i32>} : memref<128x128xf32, #tpu.memory_space<vmem>>, vector<16xf32>,
        %div3A = arith.constant 128 : i32
        %div3A_174 = arith.divsi %while3A_141, %div3A : i32
        %broadcast_in_dim3A_175 = vector.broadcast %div3A_174 : i32 to vector<16xi32>
        %broadcast_in_dim3A_176 = vector.broadcast %rem3A_145 : i32 to vector<16xi32>
        %lt3A_177 = arith.constant 1 : i32
        %lt3A_178 = vector.broadcast %lt3A_177 : i32 to vector<16xi32>
        %lt3A_179 = arith.cmpi slt, %iota3A, %lt3A_178 : vector<16xi32>
        tpu.vector_store_idx %arg14[%broadcast_in_dim3A_175, %broadcast_in_dim3A_176], %broadcast_in_dim3A_142 masked %lt3A_179 : memref<128x128xi32, #tpu.memory_space<vmem>>[vector<16xi32>, vector<16xi32>], vector<16xi32>, vector<16xi1>
        %eq3A_180 = arith.constant 127 : i32
        %eq3A_181 = arith.cmpi eq, %rem3A_145, %eq3A_180 : i32
        %convert_element_type3A_182 = arith.extui %eq3A_181 : i1 to i32
        %cond3A_183 = arith.constant 0 : i32
        %cond3A_184 = arith.cmpi ne, %convert_element_type3A_182, %cond3A_183 : i32
        scf.if %cond3A_184 {
          %div3A_196 = arith.constant 128 : i32
          %div3A_197 = arith.divsi %while3A_141, %div3A_196 : i32
          %dma_start3A = arith.constant 0 : i32
          %dma_start3A_198 = tpu.memref_slice %arg14[%div3A_197, %dma_start3A] : memref<128x128xi32, #tpu.memory_space<vmem>> -> memref<1x128xi32, #tpu.memory_space<vmem>>
          %dma_start3A_199 = tpu.memref_squeeze %dma_start3A_198 : memref<1x128xi32, #tpu.memory_space<vmem>> -> memref<128xi32, #tpu.memory_space<vmem>>
          %dma_start3A_200 = arith.constant 0 : i32
          %dma_start3A_201 = arith.constant 0 : i32
          %dma_start3A_202 = tpu.memref_slice %arg5[%dma_start3A_200, %dma_start3A_201] : memref<16512x128xf32, #tpu.memory_space<hbm>> -> memref<16512x128xf32, #tpu.memory_space<hbm>>
          tpu.enqueue_indirect_dma source(%arg13 : memref<128x128xf32, #tpu.memory_space<vmem>>) target(%dma_start3A_202 : memref<16512x128xf32, #tpu.memory_space<hbm>>) offsets(%dma_start3A_199 : memref<128xi32, #tpu.memory_space<vmem>>) semaphore(%arg16 : memref<!tpu.dma_semaphore, #tpu.memory_space<semaphore_mem>>)
          %dma_wait3A_203 = arith.constant 0 : i32
          %dma_wait3A_204 = tpu.memref_slice %arg14[%div3A_197, %dma_wait3A_203] : memref<128x128xi32, #tpu.memory_space<vmem>> -> memref<1x128xi32, #tpu.memory_space<vmem>>
          %dma_wait3A_205 = tpu.memref_squeeze %dma_wait3A_204 : memref<1x128xi32, #tpu.memory_space<vmem>> -> memref<128xi32, #tpu.memory_space<vmem>>
          %dma_wait3A_206 = arith.constant 0 : i32
          %dma_wait3A_207 = arith.constant 0 : i32
          %dma_wait3A_208 = tpu.memref_slice %arg5[%dma_wait3A_206, %dma_wait3A_207] : memref<16512x128xf32, #tpu.memory_space<hbm>> -> memref<16512x128xf32, #tpu.memory_space<hbm>>
          tpu.wait_indirect_dma semaphore(%arg16 : memref<!tpu.dma_semaphore, #tpu.memory_space<semaphore_mem>>) src(%arg13 : memref<128x128xf32, #tpu.memory_space<vmem>>) dst(%dma_wait3A_208 : memref<16512x128xf32, #tpu.memory_space<hbm>>)
        } else {
        }
        %gather3A_185 = tpu.vector_load_idx %arg7[%broadcast_in_dim3A_142] : memref<16384xi32, #tpu.memory_space<vmem>>[vector<16xi32>], vector<16xi32>,
        %reduce_max3A_186 = arith.constant true
        %reduce_max3A_187 = vector.broadcast %reduce_max3A_186 : i1 to vector<16xi1>
        %reduce_max3A_188 = arith.constant -2147483648 : i32
        %reduce_max3A_189 = vector.broadcast %reduce_max3A_188 : i32 to vector<16xi32>
        %reduce_max3A_190 = arith.xori %gather3A_185, %reduce_max3A_189 : vector<16xi32>
        %reduce_max3A_191 = tpu.scan <max>, %reduce_max3A_190 masked %reduce_max3A_187 : vector<16xi32>, vector<16xi1> -> vector<16xi32>
        %reduce_max3A_192 = arith.xori %reduce_max3A_191, %reduce_max3A_189 : vector<16xi32>
        %reduce_max3A_193 = vector.extract %reduce_max3A_192[15] : i32 from vector<16xi32>
        %add3A_194 = arith.constant 1 : i32
        %add3A_195 = arith.addi %while3A_141, %add3A_194 : i32
        scf.yield %reduce_max3A_193, %add3A_195 : i32, i32
      }
      scf.yield %while3A_139#1 : i32
    }
    %rem3A = arith.constant 128 : i32
    %rem3A_77 = arith.remsi %while3A_76, %rem3A : i32
    %gt3A = arith.constant 0 : i32
    %gt3A_78 = arith.cmpi sgt, %rem3A_77, %gt3A : i32
    %convert_element_type3A = arith.extui %gt3A_78 : i1 to i32
    %cond3A = arith.constant 0 : i32
    %cond3A_79 = arith.cmpi ne, %convert_element_type3A, %cond3A : i32
    scf.if %cond3A_79 {
      %rem3A_80 = arith.constant 128 : i32
      %rem3A_81 = arith.remsi %while3A_76, %rem3A_80 : i32
      %div3A = arith.constant 128 : i32
      %div3A_82 = arith.divsi %while3A_76, %div3A : i32
      %broadcast_in_dim3A_83 = arith.constant 16384 : i32
      %broadcast_in_dim3A_84 = vector.broadcast %broadcast_in_dim3A_83 : i32 to vector<16xi32>
      %add3A_85 = arith.constant 0 : i32
      %add3A_86 = vector.broadcast %add3A_85 : i32 to vector<16xi32>
      %add3A_87 = arith.addi %iota3A, %add3A_86 : vector<16xi32>
      %broadcast_in_dim3A_88 = vector.broadcast %div3A_82 : i32 to vector<16xi32>
      %ge3A = vector.broadcast %rem3A_81 : i32 to vector<16xi32>
      %ge3A_89 = arith.cmpi sge, %add3A_87, %ge3A : vector<16xi32>
      tpu.vector_store_idx %arg14[%broadcast_in_dim3A_88, %add3A_87], %broadcast_in_dim3A_84 masked %ge3A_89 : memref<128x128xi32, #tpu.memory_space<vmem>>[vector<16xi32>, vector<16xi32>], vector<16xi32>, vector<16xi1>
      %add3A_90 = arith.constant 16 : i32
      %add3A_91 = vector.broadcast %add3A_90 : i32 to vector<16xi32>
      %add3A_92 = arith.addi %iota3A, %add3A_91 : vector<16xi32>
      %broadcast_in_dim3A_93 = vector.broadcast %div3A_82 : i32 to vector<16xi32>
      %ge3A_94 = vector.broadcast %rem3A_81 : i32 to vector<16xi32>
      %ge3A_95 = arith.cmpi sge, %add3A_92, %ge3A_94 : vector<16xi32>
      tpu.vector_store_idx %arg14[%broadcast_in_dim3A_93, %add3A_92], %broadcast_in_dim3A_84 masked %ge3A_95 : memref<128x128xi32, #tpu.memory_space<vmem>>[vector<16xi32>, vector<16xi32>], vector<16xi32>, vector<16xi1>
      %add3A_96 = arith.constant 32 : i32
      %add3A_97 = vector.broadcast %add3A_96 : i32 to vector<16xi32>
      %add3A_98 = arith.addi %iota3A, %add3A_97 : vector<16xi32>
      %broadcast_in_dim3A_99 = vector.broadcast %div3A_82 : i32 to vector<16xi32>
      %ge3A_100 = vector.broadcast %rem3A_81 : i32 to vector<16xi32>
      %ge3A_101 = arith.cmpi sge, %add3A_98, %ge3A_100 : vector<16xi32>
      tpu.vector_store_idx %arg14[%broadcast_in_dim3A_99, %add3A_98], %broadcast_in_dim3A_84 masked %ge3A_101 : memref<128x128xi32, #tpu.memory_space<vmem>>[vector<16xi32>, vector<16xi32>], vector<16xi32>, vector<16xi1>
      %add3A_102 = arith.constant 48 : i32
      %add3A_103 = vector.broadcast %add3A_102 : i32 to vector<16xi32>
      %add3A_104 = arith.addi %iota3A, %add3A_103 : vector<16xi32>
      %broadcast_in_dim3A_105 = vector.broadcast %div3A_82 : i32 to vector<16xi32>
      %ge3A_106 = vector.broadcast %rem3A_81 : i32 to vector<16xi32>
      %ge3A_107 = arith.cmpi sge, %add3A_104, %ge3A_106 : vector<16xi32>
      tpu.vector_store_idx %arg14[%broadcast_in_dim3A_105, %add3A_104], %broadcast_in_dim3A_84 masked %ge3A_107 : memref<128x128xi32, #tpu.memory_space<vmem>>[vector<16xi32>, vector<16xi32>], vector<16xi32>, vector<16xi1>
      %add3A_108 = arith.constant 64 : i32
      %add3A_109 = vector.broadcast %add3A_108 : i32 to vector<16xi32>
      %add3A_110 = arith.addi %iota3A, %add3A_109 : vector<16xi32>
      %broadcast_in_dim3A_111 = vector.broadcast %div3A_82 : i32 to vector<16xi32>
      %ge3A_112 = vector.broadcast %rem3A_81 : i32 to vector<16xi32>
      %ge3A_113 = arith.cmpi sge, %add3A_110, %ge3A_112 : vector<16xi32>
      tpu.vector_store_idx %arg14[%broadcast_in_dim3A_111, %add3A_110], %broadcast_in_dim3A_84 masked %ge3A_113 : memref<128x128xi32, #tpu.memory_space<vmem>>[vector<16xi32>, vector<16xi32>], vector<16xi32>, vector<16xi1>
      %add3A_114 = arith.constant 80 : i32
      %add3A_115 = vector.broadcast %add3A_114 : i32 to vector<16xi32>
      %add3A_116 = arith.addi %iota3A, %add3A_115 : vector<16xi32>
      %broadcast_in_dim3A_117 = vector.broadcast %div3A_82 : i32 to vector<16xi32>
      %ge3A_118 = vector.broadcast %rem3A_81 : i32 to vector<16xi32>
      %ge3A_119 = arith.cmpi sge, %add3A_116, %ge3A_118 : vector<16xi32>
      tpu.vector_store_idx %arg14[%broadcast_in_dim3A_117, %add3A_116], %broadcast_in_dim3A_84 masked %ge3A_119 : memref<128x128xi32, #tpu.memory_space<vmem>>[vector<16xi32>, vector<16xi32>], vector<16xi32>, vector<16xi1>
      %add3A_120 = arith.constant 96 : i32
      %add3A_121 = vector.broadcast %add3A_120 : i32 to vector<16xi32>
      %add3A_122 = arith.addi %iota3A, %add3A_121 : vector<16xi32>
      %broadcast_in_dim3A_123 = vector.broadcast %div3A_82 : i32 to vector<16xi32>
      %ge3A_124 = vector.broadcast %rem3A_81 : i32 to vector<16xi32>
      %ge3A_125 = arith.cmpi sge, %add3A_122, %ge3A_124 : vector<16xi32>
      tpu.vector_store_idx %arg14[%broadcast_in_dim3A_123, %add3A_122], %broadcast_in_dim3A_84 masked %ge3A_125 : memref<128x128xi32, #tpu.memory_space<vmem>>[vector<16xi32>, vector<16xi32>], vector<16xi32>, vector<16xi1>
      %add3A_126 = arith.constant 112 : i32
      %add3A_127 = vector.broadcast %add3A_126 : i32 to vector<16xi32>
      %add3A_128 = arith.addi %iota3A, %add3A_127 : vector<16xi32>
      %broadcast_in_dim3A_129 = vector.broadcast %div3A_82 : i32 to vector<16xi32>
      %ge3A_130 = vector.broadcast %rem3A_81 : i32 to vector<16xi32>
      %ge3A_131 = arith.cmpi sge, %add3A_128, %ge3A_130 : vector<16xi32>
      tpu.vector_store_idx %arg14[%broadcast_in_dim3A_129, %add3A_128], %broadcast_in_dim3A_84 masked %ge3A_131 : memref<128x128xi32, #tpu.memory_space<vmem>>[vector<16xi32>, vector<16xi32>], vector<16xi32>, vector<16xi1>
      %dma_start3A = arith.constant 0 : i32
      %dma_start3A_132 = tpu.memref_slice %arg14[%div3A_82, %dma_start3A] : memref<128x128xi32, #tpu.memory_space<vmem>> -> memref<1x128xi32, #tpu.memory_space<vmem>>
      %dma_start3A_133 = tpu.memref_squeeze %dma_start3A_132 : memref<1x128xi32, #tpu.memory_space<vmem>> -> memref<128xi32, #tpu.memory_space<vmem>>
      %dma_start3A_134 = arith.constant 0 : i32
      %dma_start3A_135 = arith.constant 0 : i32
      %dma_start3A_136 = tpu.memref_slice %arg5[%dma_start3A_134, %dma_start3A_135] : memref<16512x128xf32, #tpu.memory_space<hbm>> -> memref<16512x128xf32, #tpu.memory_space<hbm>>
      tpu.enqueue_indirect_dma source(%arg13 : memref<128x128xf32, #tpu.memory_space<vmem>>) target(%dma_start3A_136 : memref<16512x128xf32, #tpu.memory_space<hbm>>) offsets(%dma_start3A_133 : memref<128xi32, #tpu.memory_space<vmem>>) semaphore(%arg16 : memref<!tpu.dma_semaphore, #tpu.memory_space<semaphore_mem>>)
      %dma_wait3A = arith.constant 0 : i32
      %dma_wait3A_137 = tpu.memref_slice %arg14[%div3A_82, %dma_wait3A] : memref<128x128xi32, #tpu.memory_space<vmem>> -> memref<1x128xi32, #tpu.memory_space<vmem>>
      %dma_wait3A_138 = tpu.memref_squeeze %dma_wait3A_137 : memref<1x128xi32, #tpu.memory_space<vmem>> -> memref<128xi32, #tpu.memory_space<vmem>>
      %dma_wait3A_139 = arith.constant 0 : i32
      %dma_wait3A_140 = arith.constant 0 : i32
      %dma_wait3A_141 = tpu.memref_slice %arg5[%dma_wait3A_139, %dma_wait3A_140] : memref<16512x128xf32, #tpu.memory_space<hbm>> -> memref<16512x128xf32, #tpu.memory_space<hbm>>
      tpu.wait_indirect_dma semaphore(%arg16 : memref<!tpu.dma_semaphore, #tpu.memory_space<semaphore_mem>>) src(%arg13 : memref<128x128xf32, #tpu.memory_space<vmem>>) dst(%dma_wait3A_141 : memref<16512x128xf32, #tpu.memory_space<hbm>>)
    } else {
    }
    return
  }
}

</mosaic_0001>

<sc_bundles>
// kernel: kernel.3.cloned.1.call-start
scs
__scs_entry_jumppad:
0x0: {  	(pc) =	sbr.rel $0x88, $3  }
0x1: {  	(tag) =	ssettag $0x0;
	lr =	simm.s32 $0x1  }
0x2: {  	[smem:$0x3F9F] =	sst lr;
	_ =	strace $0xD0000000  }
0x3: {  	_ = 	snop  }
0x4: {  	_ = 	snop  }
0x5: {  	_ = 	snop  }
0x6: {  	_ = 	snop  }
0x7: {  	_ = 	snop  }
__scs_overlays_trampoline_lowered:
0x8: {  	[smem:$0x3FAE] =	sst s0  }
0x9: {  	[smem:$0x3FAF] =	sst s1  }
0xa: {  	[smem:$0x3FB0] =	sst s2  }
0xb: {  	[smem:$0x3FB1] =	sst s3  }
0xc: {  	[smem:$0x3FB2] =	sst s4  }
0xd: {  	[smem:$0x3FB3] =	sst s5  }
0xe: {  	[smem:$0x3FB4] =	sst s6  }
0xf: {  	[smem:$0x3FB5] =	sst s7  }
0x10: {  	[smem:$0x3FB6] =	sst s8  }
0x11: {  	[smem:$0x3FB7] =	sst s9;
	s0 =	simm.s32 @!p0 $0x0  }
0x12: {  	s1 =	sld [smem:$0x3F9D];
	s0 =	simm.s32 @p0 $0x1  }
0x13: {  	[smem:$0x3FB8] =	sst s0;
	s0 =	simm.s32 @!p1 $0x0  }
0x14: {  	s2 =	sld [smem:$0x3F9C];
	s0 =	simm.s32 @p1 $0x1  }
0x15: {  	[smem:$0x3FB9] =	sst s0;
	s0 =	simm.s32 @!p2 $0x0  }
0x16: {  	s3 =	sld [smem:$0x3FDB];
	s0 =	simm.s32 @p2 $0x1  }
0x17: {  	s4 =	simm.s32 $0x1BF5;
	[smem:$0x3FBB] =	sst s0  }
0x18: {  	s0 =	sld [smem:$0x3F9E];
	_ =	swait.ge [sflag:s4], $0x0  }
0x19: {  	s7 =	sld [smem:$0x3F9F]  }
0x1a: {  	s8 =	sadd.s32 $0xFFFFE003, lr  }
0x1b: {  	s9 =	sadd.s32 $0xFFFFFEF7, lr;
	s5 =	simm.s32 $0xFFFFFFFF;
	p2 =	slt.u32 s8, $0xFFFFF086  }
0x1c: {  	p1 =	slt.u32 s9, $0xF7A;
	s5 =	simm.s32 @!p2 $0x0  }
0x1d: {  	s5 =	simm.s32 @p1 $0x1;
	p0 =	seq.s32 s7, s2  }
0x1e: {  	s7 =	smul.u32 @!p0 $0xF7A, s2;
	p2 =	seq.s32 @!p0 s5, $0x0  }
0x1f: {  	s9 =	smul.u32 $0xF7A, s1;
	s8 =	simm.s32 @!p0 $0x1BF5;
	p2 =	por !p2, p0  }
0x20: {  	[sflag:s8] =	ssyncset.s32 @!p0 $0xFFFFF086;
	s6 =	sadd.s32 @!p0 s3, s7;
	s7 =	simm.s32 @!p0 $0x108  }
0x21: {  	s3 =	sadd.s32 s3, s9;
	s6 =	sadd.s32 @!p0 $0x88, s6;
	s7 =	simm.s32 @p2 $0x1082  }
0x22: {  	[simem:s7], [sflag:s8] =	dma.local @!p0 [hbm:s6], $0xF7A  }
0x23: {  	s9 =	sor.u32 $0xD0000000, s2;
	s6 =	simm.s32 $0x108;
	_ =	swait.ge @!p0 [sflag:s8], $0x0  }
0x24: {  	s3 =	sadd.s32 $0x88, s3;
	s6 =	simm.s32 @!p1 $0x1082;
	[sflag:s4] =	ssyncset.s32 $0xFFFFF086  }
0x25: {  	[simem:s6], [sflag:s4] =	dma.local [hbm:s3], $0xF7A  }
0x26: {  	[smem:$0x3F9F] =	sst s1;
	(tag) =	ssettag s2;
	_ =	strace s9  }
0x27: {  	s1 =	sld [smem:$0x3FAF]  }
0x28: {  	s2 =	sld [smem:$0x3FB0]  }
0x29: {  	s4 =	sld [smem:$0x3FB2]  }
0x2a: {  	p0 =	seq.s32 s5, $0x0;
	s5 =	sld [smem:$0x3FB3]  }
0x2b: {  	s6 =	sld [smem:$0x3FB4]  }
0x2c: {  	s7 =	sld [smem:$0x3FB5]  }
0x2d: {  	s3 =	simm.s32 $0x108;
	s8 =	sld [smem:$0x3FB6]  }
0x2e: {  	s3 =	simm.s32 @!p0 $0x1082;
	s9 =	sld [smem:$0x3FB7]  }
0x2f: {  	lr =	sadd.s32 s0, s3;
	s0 =	sld [smem:$0x3FAE]  }
0x30: {  	s3 =	sld [smem:$0x3FB1]  }
0x31: {  	[smem:$0x3FBA] =	sst s10  }
0x32: {  	s10 =	sld [smem:$0x3FB8];
	_ =	sdelay $0x3  }
0x33: {  	p0 =	seq.s32 s10, $0x1;
	s10 =	sld [smem:$0x3FBA];
	_ =	sdelay $0x3  }
0x34: {  	[smem:$0x3FBA] =	sst s10  }
0x35: {  	s10 =	sld [smem:$0x3FB9];
	_ =	sdelay $0x3  }
0x36: {  	p1 =	seq.s32 s10, $0x1;
	s10 =	sld [smem:$0x3FBA];
	_ =	sdelay $0x3  }
0x37: {  	[smem:$0x3FBA] =	sst s10  }
0x38: {  	s10 =	sld [smem:$0x3FBB]  }
0x39: {  	_ = 	snop;
	(pc) =	sbr.ind lr, $3  }
0x3a: {  	_ = 	snop  }
0x3b: {  	_ = 	snop  }
0x3c: {  	p2 =	seq.s32 s10, $0x1;
	s10 =	sld [smem:$0x3FBA]  }
0x3d: {  	_ =	shalt  }
0x3e: {  	_ =	shalt  }
0x3f: {  	_ =	shalt  }
0x40: {  	_ =	shalt  }
0x41: {  	_ =	shalt  }
0x42: {  	_ =	shalt  }
0x43: {  	_ =	shalt  }
0x44: {  	_ =	shalt  }
0x45: {  	_ =	shalt  }
0x46: {  	_ =	shalt  }
0x47: {  	_ =	shalt  }
0x48: {  	_ =	shalt  }
0x49: {  	_ =	shalt  }
0x4a: {  	_ =	shalt  }
0x4b: {  	_ =	shalt  }
0x4c: {  	_ =	shalt  }
0x4d: {  	_ =	shalt  }
0x4e: {  	_ =	shalt  }
0x4f: {  	_ =	shalt  }
0x50: {  	_ =	shalt  }
0x51: {  	_ =	shalt  }
0x52: {  	_ =	shalt  }
0x53: {  	_ =	shalt  }
0x54: {  	_ =	shalt  }
0x55: {  	_ =	shalt  }
0x56: {  	_ =	shalt  }
0x57: {  	_ =	shalt  }
0x58: {  	_ =	shalt  }
0x59: {  	_ =	shalt  }
0x5a: {  	_ =	shalt  }
0x5b: {  	_ =	shalt  }
0x5c: {  	_ =	shalt  }
0x5d: {  	_ =	shalt  }
0x5e: {  	_ =	shalt  }
0x5f: {  	_ =	shalt  }
0x60: {  	_ =	shalt  }
0x61: {  	_ =	shalt  }
0x62: {  	_ =	shalt  }
0x63: {  	_ =	shalt  }
0x64: {  	_ =	shalt  }
0x65: {  	_ =	shalt  }
0x66: {  	_ =	shalt  }
0x67: {  	_ =	shalt  }
0x68: {  	_ =	shalt  }
0x69: {  	_ =	shalt  }
0x6a: {  	_ =	shalt  }
0x6b: {  	_ =	shalt  }
0x6c: {  	_ =	shalt  }
0x6d: {  	_ =	shalt  }
0x6e: {  	_ =	shalt  }
0x6f: {  	_ =	shalt  }
0x70: {  	_ =	shalt  }
0x71: {  	_ =	shalt  }
0x72: {  	_ =	shalt  }
0x73: {  	_ =	shalt  }
0x74: {  	_ =	shalt  }
0x75: {  	_ =	shalt  }
0x76: {  	_ =	shalt  }
0x77: {  	_ =	shalt  }
0x78: {  	_ =	shalt  }
0x79: {  	_ =	shalt  }
0x7a: {  	_ =	shalt  }
0x7b: {  	_ =	shalt  }
0x7c: {  	_ =	shalt  }
0x7d: {  	_ =	shalt  }
0x7e: {  	_ =	shalt  }
0x7f: {  	_ =	shalt  }
0x80: {  	_ =	shalt  }
0x81: {  	_ =	shalt  }
0x82: {  	_ =	shalt  }
0x83: {  	_ =	shalt  }
0x84: {  	_ =	shalt  }
0x85: {  	_ =	shalt  }
0x86: {  	_ =	shalt  }
0x87: {  	_ =	shalt  }
.Lfunc_end0:
.L_simem_size_0:
called_computation_lowered:
.L_overlay_start_0:
0x88: {  	s2 =	sld [smem:$0x3FD9]  }
0x89: {  	s3 =	sld [smem:$0x3FFE];
	_ =	sdelay $0x1  }
0x8a: {  	s1 =	srdreg.scid  }
0x8b: {  	s0 =	sand.u32 $0x1, s1  }
0x8c: {  	s17 =	sshll.u32 s0, $0xA;
	s2 =	sadd.s32 s3, s2  }
0x8d: {  	s2 =	sadd.s32 s2, s17  }
0x8e: {  	[smem:$0x3FC6] =	sst s2  }
0x8f: {  	_ = 	snop  }
0x90: {  	s2 =	sld [smem:$0x3FC9]  }
0x91: {  	s18 =	sld [smem:$0x3FC8]  }
0x92: {  	s4 =	sld [smem:$0x3FD0];
	(tm) =	ssettm $0x1  }
0x93: {  	s5 =	sld [smem:$0x3FFB];
	_ =	sdelay $0x3  }
0x94: {  	_ =	strace s5  }
0x95: {  	s5 =	sld [smem:$0x3FFC];
	_ =	sdelay $0x3  }
0x96: {  	_ =	strace s5  }
0x97: {  	s5 =	sld [smem:$0x3FFD];
	_ =	sdelay $0x3  }
0x98: {  	_ =	strace s5  }
0x99: {  	_ =	strace $0x8FFFFFFF  }
0x9a: {  	s19 =	sld [smem:$0x3FDB];
	_ =	sdelay $0x1  }
0x9b: {  	s6 =	simm.s32 $_scs_section_size  }
0x9c: {  	s7 =	simm.s32 $_size__tile_overlayer_lowered;
	s8 =	simm.s32 $_tile_overlayer_lowered  }
0x9d: {  	s22 =	simm.s32 $0x1BFF;
	s21 =	sshll.u32 s8, $0x1;
	s5 =	sadd.s32 s6, s19  }
0x9e: {  	s9 =	simm.s32 $0x0;
	s20 =	sshll.u32 s7, $0x1;
	s7 =	sadd.s32 s21, s5  }
0x9f: {  	[timem:s9], [sflag:s22] =	dma.local [hbm:s7], s20  }
0xa0: {  	_ =	swait.ge [sflag:s22], s20  }
0xa1: {  	s6 =	ssub.s32 $0x0, s20;
	[sflag:s22] =	ssyncset.done $0x0  }
0xa2: {  	[sflag:s22] =	ssyncadd.s32 s6;
	_ =	sdelay $0x1  }
0xa3: {  	s23 =	simm.s32 $0x1B8B  }
0xa4: {  	_ =	swait.ge [sflag:s23], $0x1  }
0xa5: {  	[sflag:s23] =	ssyncset.done $0x0  }
0xa6: {  	s25 =	simm.s32 $0x1B8E;
	s24 =	sld [smem:$0x3FFE];
	[sflag:s23] =	ssyncadd.s32 $0xFFFFFFFF  }
0xa7: {  	s26 =	simm.s32 $execute0_lowered;
	[smem:$0x3FD2] =	sst s25  }
0xa8: {  	s7 =	sshll.u32 s26, $0x1;
	_ =	strace $0x80000046;
	[dreg:$0x1] =	wrdreg $0xFFFFFFFF  }
0xa9: {  	s28 =	simm.s32 $_size_execute0_lowered;
	s5 =	sadd.s32 s5, s7;
	[dreg:$0x0] =	wrdreg $0x0  }
0xaa: {  	s7 =	sshll.u32 s28, $0x1;
	[dreg:$0x2] =	wrdreg s5  }
0xab: {  	[dreg:$0x3] =	wrdreg s7  }
0xac: {  	[dreg:$0x4] =	wrdreg $0xC0  }
0xad: {  	_ =	task [dreg:s9], $0x5FFFF  }
0xae: {  	[dreg:$0x1] =	wrdreg $0xFFFFFFFF  }
0xaf: {  	[dreg:$0x0] =	wrdreg $0x60  }
0xb0: {  	[dreg:$0x2] =	wrdreg s2  }
0xb1: {  	[dreg:$0x3] =	wrdreg s18  }
0xb2: {  	[dreg:$0x4] =	wrdreg s4  }
0xb3: {  	[dreg:$0x5] =	wrdreg s24  }
0xb4: {  	[dreg:$0x6] =	wrdreg $0x9  }
0xb5: {  	_ =	task.clear_ibuf [dreg:s9], $0x7FFFF;
	_ =	strace $0x90000046  }
0xb6: {  	s29 =	simm.s32 $0x9;
	_ =	strace $0x80000048  }
0xb7: {  	_ =	swait.ge [sflag:s29], $0x1  }
0xb8: {  	[sflag:s29] =	ssyncadd.s32 $0xFFFFFFFF  }
0xb9: {  	_ =	strace $0x90000048  }
0xba: {  	_ =	sfence  }
0xbb: {  	s30 =	sld [smem:$0x0];
	_ =	sdelay $0x2  }
0xbc: {  	s31 =	sshll.u32 s1, $0xD;
	s1 =	sshrl.u32 s1, $0x2  }
0xbd: {  	s3 =	sand.u32 $0x4000, s31;
	s1 =	sadd.s32 s1, s30  }
0xbe: {  	s0 =	sor.u32 s3, s0;
	s1 =	sshll.u32 s1, $0x11  }
0xbf: {  	s0 =	sor.u32 s1, s0  }
0xc0: {  	s0 =	sadd.s32 $0x8F2B, s0  }
0xc1: {  	[sflag:s0] =	ssyncadd.remote.s32 $0x1  }
0xc2: {  	_ =	sfence.sel $0xFFFF  }
0xc3: {  	[dreg:$0x0] =	wrdreg $0xFFFFFFFF;
	(pc) =	sbr.abs _section_cstart, $3  }
0xc4: {  	[dreg:$0x1] =	wrdreg $0xFFFFFFFF  }
0xc5: {  	_ =	task.clear_ibuf [dreg:s9], $0x2FFFF;
	_ =	strace $0x9FFFFFFF  }
0xc6: {  	(tm) =	ssettm $0x7FFFFFFF  }
0xc7: {  	_ =	shalt  }
tec
execute0_lowered:
.L_overlay_start_1:
0x0: {  	(tag) =	ssettag $0x1  }
0x1: {  	s1 =	rddreg [dreg:$0x0]  }
0x2: {  	s2 =	rddreg [dreg:$0x1]  }
0x3: {  	s3 =	rddreg [dreg:$0x2]  }
0x4: {  	s6 =	rddreg [dreg:$0x3]  }
0x5: {  	s0 =	rddreg [dreg:$0x4];
	s7 =	srdreg.scid;
	s5 =	simm.s32 $0x0  }
0x6: {  	s4 =	stileid.u32;
	s11 =	simm.s32 $0xF5;
	s12 =	simm.s32 $0x1  }
0x7: {  	s13 =	simm.s32 $0x8000;
	s14 =	simm.s32 $0x8300;
	s15 =	simm.s32 $0x14300  }
0x8: {  	s16 =	simm.s32 $0x0;
	s7 =	sand.u32 $0x1, s7;
	[smem:$0x7FF] =	sst s5  }
0x9: {  	s9 =	sshll.u32 s4, $0x1;
	s6 =	sadd.s32 $0x400, s6;
	p0 =	slt.u32 s4, $0x2  }
0xa: {  	s8 =	ssub.s32 $0x2, s7;
	_ =	strace $0x80000047;
	s7 =	sor.u32 s7, s9  }
.Ltmp0:
0xb: {  	v0 =	vlaneseq.u32;
	s11 =	simm.s32 @!p0 $0xF4;
	s10 =	sshrl.u32 s8, $0x1;
	(pc) =	sbr.rel .LBB2_1-.Ltmp0, $4  }
0xc: {  	v1 =	vmul.u32 $0x80, v0;
	s30 =	smul.u32 $0xF4, s7;
	s31 =	smin.u32 s7, $0x4;
	p0 =	seq.s32 s7, $0x1F  }
0xd: {  	s29 =	ssub.s32 s8, s10;
	s8 =	simm.s32 $0x1;
	s12 =	simm.s32 @!p0 $0x0  }
0xe: {  	v4 =	vimm.s32 $0xFFFFFFFF;
	v5 =	vor.u32 $0x800, v1;
	v6 =	vor.u32 $0x1000, v1;
	s10 =	simm.s32 $0x6;
	s7 =	sadd.s32 s31, s30;
	s11 =	sadd.s32 s12, s11  }
0xf: {  	v7 =	vor.u32 $0x1800, v1;
	s9 =	smax.u32 s29, $0x1;
	s12 =	simm.s32 $0x8100;
	v2 =	vmov s7;
	v3 =	vmov s11;
	s11 =	simm.s32 $0x4000  }
.LBB2_10:
0x10: {  	s18 =	sshra.s32 s17, $0x1F  }
0x11: {  	s18 =	sshrl.u32 s18, $0x19  }
0x12: {  	s18 =	sadd.s32 s18, s17  }
0x13: {  	s19 =	sand.u32 $0xFFFFFF80, s18  }
0x14: {  	s17 =	ssub.s32 s17, s19  }
0x15: {  	p0 =	slt.s32 s17, $0x1  }
0x16: {  	v8 =	vlaneseq.u32 @!p0;
	v9 =	vmov @!p0 s17;
	v12 =	vimm.s32 @!p0 $0x4000  }
0x17: {  	s18 =	sshra.s32 s18, $0x7;
	v10 =	vadd.s32 @!p0 $0x1, v8;
	v11 =	vadd.s32 @!p0 $0x11, v8;
	v13 =	vadd.s32 @!p0 $0x21, v8  }
0x18: {  	s17 =	sshll.u32 @!p0 s18, $0x7;
	v14 =	vor.u32 @!p0 $0x20, v8;
	v15 =	vadd.s32 @!p0 $0x41, v8;
	v16 =	vadd.s32 @!p0 $0x51, v8  }
0x19: {  	v17 =	vor.u32 @!p0 $0x50, v8;
	vm0 =	vlt.s32 @!p0 v9, v10;
	v10 =	vor.u32 @!p0 s17, v8  }
0x1a: {  	vm1 =	vlt.s32 @!p0 v9, v11;
	v11 =	vor.u32 @!p0 $0x10, v8;
	vm2 =	vlt.s32 @!p0 v9, v13  }
0x1b: {  	v13 =	vor.u32 @!p0 s17, v14;
	v14 =	vadd.s32 @!p0 $0x31, v8;
	v11 =	vor.u32 @!p0 s17, v11  }
0x1c: {  	vm4 =	vlt.s32 @!p0 v9, v15;
	vm3 =	vlt.s32 @!p0 v9, v14;
	v14 =	vor.u32 @!p0 $0x30, v8  }
0x1d: {  	v15 =	vor.u32 @!p0 $0x40, v8;
	vm5 =	vlt.s32 @!p0 v9, v16;
	v14 =	vor.u32 @!p0 s17, v14  }
0x1e: {  	s19 =	simm.s32 @!p0 $0x14300;
	v16 =	vor.u32 @!p0 s17, v17;
	v17 =	vadd.s32 @!p0 $0x61, v8;
	v15 =	vor.u32 @!p0 s17, v15  }
0x1f: {  	[tilespmem:v10+s19+$0x0] =	vst.idx.msk @!p0 vm0, v12;
	vm0 =	vlt.s32 @!p0 v9, v17;
	v10 =	vor.u32 @!p0 $0x60, v8;
	v17 =	vadd.s32 @!p0 $0x71, v8  }
0x20: {  	v8 =	vor.u32 @!p0 $0x70, v8;
	[tilespmem:v11+s19+$0x0] =	vst.idx.msk @!p0 vm1, v12;
	vm1 =	vlt.s32 @!p0 v9, v17;
	v9 =	vor.u32 @!p0 s17, v10  }
0x21: {  	v8 =	vor.u32 @!p0 s17, v8;
	[tilespmem:v13+s19+$0x0] =	vst.idx.msk @!p0 vm2, v12  }
0x22: {  	[tilespmem:v14+s19+$0x0] =	vst.idx.msk @!p0 vm3, v12  }
0x23: {  	[tilespmem:v15+s19+$0x0] =	vst.idx.msk @!p0 vm4, v12  }
0x24: {  	s17 =	sshll.u32 @!p0 s18, $0x9;
	[tilespmem:v16+s19+$0x0] =	vst.idx.msk @!p0 vm5, v12  }
0x25: {  	s17 =	sshra.s32 @!p0 s17, $0x2;
	[tilespmem:v9+s19+$0x0] =	vst.idx.msk @!p0 vm0, v12  }
0x26: {  	s18 =	simm.s32 @!p0 $0x80;
	s17 =	sadd.s32 @!p0 $0x14300, s17;
	[tilespmem:v8+s19+$0x0] =	vst.idx.msk @!p0 vm1, v12;
	s19 =	simm.s32 @!p0 $0x10300  }
0x27: {  	[hbm4b:s6+s18] =	stream.indirect.scatter @!p0 [tilespmem:s19], [sflag:$0x5], $0x80, s17, s18, $0xb8;
	[tilespmem:$0x18300] =	vst v63  }
0x28: {  	s17 =	simm.s32 @!p0 $0x5  }
0x29: {  	_ =	swait.ge @!p0 [sflag:s17], $0x4000  }
0x2a: {  	[sflag:s17] =	ssyncset.done @!p0 $0x0  }
0x2b: {  	[sflag:s17] =	ssyncadd.s32 @!p0 $0xFFFFC000  }
.LBB2_11:
0x2c: {  	s16 =	sadd.s32 $0x1, s16  }
0x2d: {  	p0 =	sne.s32 s16, s9  }
.Ltmp1:
0x2e: {  	_ = 	snop;
	(pc) =	sbr.rel @!p0 .LBB2_12-.Ltmp1, $1  }
0x2f: {  	_ =	sdelay $0x3  }
.LBB2_1:
0x30: {  	[tilespmem:s5], [sflag:$0x6] =	stream.linear.gather [hbm4b:s1+s5], $0x4000, $0x38;
	[tilespmem:$0x18300] =	vst v63  }
0x31: {  	_ =	swait.ge [sflag:s10], $0x4000  }
0x32: {  	[sflag:s10] =	ssyncset.done $0x0  }
0x33: {  	[sflag:s10] =	ssyncadd.s32 $0xFFFFC000  }
0x34: {  	[tilespmem:$0x8000] =	vst v4  }
0x35: {  	[tilespmem:$0x8010] =	vst v4  }
0x36: {  	[tilespmem:$0x8020] =	vst v4  }
0x37: {  	[tilespmem:$0x8030] =	vst v4  }
0x38: {  	[tilespmem:$0x8040] =	vst v4  }
0x39: {  	[tilespmem:$0x8050] =	vst v4  }
0x3a: {  	[tilespmem:$0x8060] =	vst v4  }
0x3b: {  	[tilespmem:$0x8070] =	vst v4  }
0x3c: {  	[tilespmem:$0x8080] =	vst v4  }
0x3d: {  	[tilespmem:$0x8090] =	vst v4  }
0x3e: {  	[tilespmem:$0x80A0] =	vst v4  }
0x3f: {  	[tilespmem:$0x80B0] =	vst v4  }
0x40: {  	[tilespmem:$0x80C0] =	vst v4  }
0x41: {  	[tilespmem:$0x80D0] =	vst v4  }
0x42: {  	[tilespmem:$0x80E0] =	vst v4  }
0x43: {  	[tilespmem:$0x80F0] =	vst v4  }
0x44: {  	[tilespmem:$0x8200] =	vst v4  }
0x45: {  	[tilespmem:$0x8210] =	vst v4  }
0x46: {  	[tilespmem:$0x8280] =	vst v4  }
0x47: {  	s17 =	simm.s32 $0x0;
	s18 =	simm.s32 $0x0;
	[tilespmem:$0x8290] =	vst v4  }
.LBB2_2:
0x48: {  	v8 =	vld [tilespmem:s17+$0x0];
	_ =	sdelay $0x4  }
0x49: {  	v8 =	vshrl.u32 v8, $0x7  }
0x4a: {  	v9 =	vsub.s32 v8, v2  }
0x4b: {  	vm0 =	vlt.s32 v8, v2;
	vm1 =	vge.s32 v9, v3  }
0x4c: {  	v8 =	vxor.u32 $0x80000000, v9;
	vm0 =	vmor vm0, vm1  }
0x4d: {  	v62 =	vor.u32 s18, v0;
	v8 =	vsel vm0, $0x800000FF, v8  }
0x4e: {  	(xrf1) =	vsort.ascd.msk.u32 $0xffff, v8, v62;
	_ =	sdelay $0xd  }
0x4f: {  	v8, v9, _ =	vpop (xrf1)  }
0x50: {  	v8 =	vxor.u32 $0x80000000, v8  }
0x51: {  	[tilespmem:$0x8201] =	vst v8  }
0x52: {  	v10 =	vld [tilespmem:$0x8202]  }
0x53: {  	[tilespmem:$0x8281] =	vst v9  }
0x54: {  	v12 =	vld [tilespmem:$0x8280]  }
0x55: {  	s19 =	simm.s32 $0x8000;
	v11 =	vld [tilespmem:$0x8200]  }
0x56: {  	v13 =	vld.idx.msk [tilespmem:v8+s19+$0x0], $0xffff  }
0x57: {  	vm14 =	vne.s32 v8, v10  }
0x58: {  	p0 =	seq.s32 s18, $0x3FF0  }
.Ltmp2:
0x59: {  	_ = 	snop;
	(pc) =	sbr.rel @!p0 .LBB2_2-.Ltmp2, $4  }
0x5a: {  	vm15 =	veq.s32 v8, v11  }
0x5b: {  	v63 =	vsel vm15, v12, v13  }
0x5c: {  	[tilespmem:v9+s11+$0x0] =	vst.idx.msk $0xffff, v63  }
0x5d: {  	s17 =	sadd.s32 $0x10, s17;
	s18 =	sadd.s32 $0x10, s18;
	[tilespmem:v8+s19+$0x0] =	vst.idx.msk vm14, v9  }
0x5e: {  	v8 =	vld [tilespmem:s19+$0x0];
	_ =	sdelay $0x2  }
0x5f: {  	s17 =	simm.s32 $0x0  }
0x60: {  	v9 =	vor.u32 s17, v0  }
0x61: {  	vm1 =	vlt.u32 v9, v3;
	vm0 =	vgt.s32 v8, $0xFFFFFFFF  }
0x62: {  	vm0 =	vmand vm1, vm0  }
0x63: {  	v8 =	vmpcnt.ones.xlane vm0;
	_ =	sdelay $0x1  }
0x64: {  	v8 =	vxor.u32 $0x80000000, v8  }
0x65: {  	(xrf0) =	vmax.scan.msk.u32 $0xffff, v8;
	_ =	sdelay $0x5  }
0x66: {  	v8, _, _ =	vpop (xrf0)  }
0x67: {  	s18 =	simm.s32 $0x8010;
	[tilespmem:s17+$0x8100] =	vst.msk vm0, v9;
	(v2sf) =	vpush v8, $0xF  }
0x68: {  	s19 =	simm.s32 $0x10;
	s20 =	simm.s32 $0x20;
	v8 =	vld [tilespmem:s18+$0x0]  }
.LBB2_4:
0x69: {  	p0 =	seq.s32 s20, $0xF0;
	_ =	sdelay $0x2  }
0x6a: {  	v9 =	vor.u32 s19, v0;
	s19 =	smov.u32 s20  }
0x6b: {  	vm1 =	vlt.u32 v9, v3;
	vm0 =	vgt.s32 v8, $0xFFFFFFFF  }
0x6c: {  	vm0 =	vmand vm1, vm0  }
0x6d: {  	v8 =	vmpcnt.ones.xlane vm0;
	_ =	sdelay $0x1  }
0x6e: {  	v8 =	vxor.u32 $0x80000000, v8  }
0x6f: {  	(xrf0) =	vmax.scan.msk.u32 $0xffff, v8;
	_ =	sdelay $0x3  }
.Ltmp3:
0x70: {  	s21 =	spop (v2sf);
	(pc) =	sbr.rel @!p0 .LBB2_4-.Ltmp3, $4  }
0x71: {  	s17 =	sadd.s32 s21, s17  }
0x72: {  	v8, _, _ =	vpop (xrf0);
	s17 =	sadd.s32 $0x80000000, s17  }
0x73: {  	s18 =	sadd.s32 $0x10, s18;
	[tilespmem:s17+$0x8100] =	vst.msk vm0, v9;
	(v2sf) =	vpush v8, $0xF  }
0x74: {  	s20 =	sadd.s32 $0x10, s20;
	v8 =	vld [tilespmem:s18+$0x0]  }
0x75: {  	_ =	sdelay $0x2  }
0x76: {  	v9 =	vor.u32 s19, v0  }
0x77: {  	vm1 =	vlt.u32 v9, v3;
	vm0 =	vgt.s32 v8, $0xFFFFFFFF  }
0x78: {  	vm0 =	vmand vm1, vm0  }
0x79: {  	v8 =	vmpcnt.ones.xlane vm0;
	_ =	sdelay $0x1  }
0x7a: {  	v8 =	vxor.u32 $0x80000000, v8  }
0x7b: {  	(xrf0) =	vmax.scan.msk.u32 $0xffff, v8;
	_ =	sdelay $0x5  }
0x7c: {  	v8, _, _ =	vpop (xrf0)  }
0x7d: {  	(v2sf) =	vpush v8, $0xF;
	_ =	sdelay $0xc  }
0x7e: {  	s18 =	spop (v2sf)  }
0x7f: {  	s17 =	sadd.s32 s18, s17  }
0x80: {  	s17 =	sadd.s32 $0x80000000, s17;
	s31 =	spop (v2sf)  }
0x81: {  	s18 =	sadd.s32 s31, s17  }
0x82: {  	s18 =	sadd.s32 $0x80000000, s18  }
0x83: {  	p0 =	sgt.s32 s18, $0x0  }
.Ltmp4:
0x84: {  	_ = 	snop;
	(pc) =	sbr.rel @p0 .LBB2_6-.Ltmp4, $4  }
.Ltmp5:
0x85: {  	_ = 	snop;
	(pc) =	sbr.rel @!p0 .LBB2_11-.Ltmp5, $4  }
0x86: {  	_ = 	snop  }
0x87: {  	_ = 	snop  }
0x88: {  	s19 =	simm.s32 $0x0;
	[tilespmem:s17+$0x8100] =	vst.msk vm0, v9;
	s17 =	simm.s32 $0x0  }
0x89: {  	_ = 	snop  }
.LBB2_9:
0x8a: {  	s19 =	sadd.s32 $0x1, s19  }
0x8b: {  	p0 =	sne.s32 s19, s18  }
.Ltmp6:
0x8c: {  	_ = 	snop;
	(pc) =	sbr.rel @!p0 .LBB2_10-.Ltmp6, $1  }
0x8d: {  	_ =	sdelay $0x3  }
.LBB2_6:
0x8e: {  	v8 =	vmov s19;
	_ =	sdelay $0x4  }
0x8f: {  	v9 =	vld.idx.msk [tilespmem:v8+s12+$0x0], $0xffff;
	_ =	sdelay $0x4  }
0x90: {  	v9 =	vxor.u32 $0x80000000, v9  }
0x91: {  	(xrf0) =	vmax.scan.msk.u32 $0xffff, v9;
	_ =	sdelay $0x5  }
0x92: {  	v9, _, _ =	vpop (xrf0)  }
0x93: {  	(v2sf) =	vpush v9, $0xF;
	_ =	sdelay $0xe  }
0x94: {  	s20 =	spop (v2sf)  }
0x95: {  	s20 =	sadd.s32 s20, s7  }
0x96: {  	s20 =	sadd.s32 $0x80000000, s20  }
0x97: {  	p0 =	sgt.s32 s20, $0x1E83  }
0x98: {  	s21 =	simm.s32 @p0 $0x0;
	s22 =	simm.s32 @p0 $0x8300;
	s20 =	sshll.u32 @!p0 s20, $0xA  }
0x99: {  	[tilespmem:s22], [sflag:$0x1] =	stream.linear.gather @p0 [hbm4b:s3+s21], $0x2000, $0x38;
	[tilespmem:$0x18300] =	vst v63  }
0x9a: {  	s21 =	sshrl.u32 @!p0 s20, $0x3  }
0x9b: {  	s23 =	simm.s32 @!p0 $0x8300;
	s22 =	simm.s32 @!p0 $0x0;
	s21 =	sadd.s32 @!p0 s2, s21  }
0x9c: {  	[tilespmem:s23], [sflag:$0x1] =	stream.linear.gather @!p0 [hbm4b:s21+s22], $0x400, $0x38;
	[tilespmem:$0x18300] =	vst v63  }
0x9d: {  	s21 =	sadd.s32 @!p0 $0x7A1400, s20  }
0x9e: {  	s21 =	sshrl.u32 @!p0 s21, $0x3  }
0x9f: {  	s23 =	simm.s32 @!p0 $0x8700;
	s21 =	sadd.s32 @!p0 s2, s21  }
0xa0: {  	[tilespmem:s23], [sflag:$0x1] =	stream.linear.gather @!p0 [hbm4b:s21+s22], $0x400, $0x38;
	[tilespmem:$0x18300] =	vst v63  }
0xa1: {  	s21 =	sadd.s32 @!p0 $0xF42800, s20  }
0xa2: {  	s21 =	sshrl.u32 @!p0 s21, $0x3  }
0xa3: {  	s23 =	simm.s32 @!p0 $0x8B00;
	s21 =	sadd.s32 @!p0 s2, s21  }
0xa4: {  	[tilespmem:s23], [sflag:$0x1] =	stream.linear.gather @!p0 [hbm4b:s21+s22], $0x400, $0x38;
	[tilespmem:$0x18300] =	vst v63  }
0xa5: {  	s21 =	sadd.s32 @!p0 $0x16E3C00, s20  }
0xa6: {  	s21 =	sshrl.u32 @!p0 s21, $0x3  }
0xa7: {  	s23 =	simm.s32 @!p0 $0x8F00;
	s21 =	sadd.s32 @!p0 s2, s21  }
0xa8: {  	[tilespmem:s23], [sflag:$0x1] =	stream.linear.gather @!p0 [hbm4b:s21+s22], $0x400, $0x38;
	[tilespmem:$0x18300] =	vst v63  }
0xa9: {  	s21 =	sadd.s32 @!p0 $0x1E85000, s20  }
0xaa: {  	s21 =	sshrl.u32 @!p0 s21, $0x3  }
0xab: {  	s23 =	simm.s32 @!p0 $0x9300;
	s21 =	sadd.s32 @!p0 s2, s21  }
0xac: {  	[tilespmem:s23], [sflag:$0x1] =	stream.linear.gather @!p0 [hbm4b:s21+s22], $0x400, $0x38;
	[tilespmem:$0x18300] =	vst v63  }
0xad: {  	s21 =	sadd.s32 @!p0 $0x2626400, s20  }
0xae: {  	s21 =	sshrl.u32 @!p0 s21, $0x3  }
0xaf: {  	s23 =	simm.s32 @!p0 $0x9700;
	s21 =	sadd.s32 @!p0 s2, s21  }
0xb0: {  	[tilespmem:s23], [sflag:$0x1] =	stream.linear.gather @!p0 [hbm4b:s21+s22], $0x400, $0x38;
	[tilespmem:$0x18300] =	vst v63  }
0xb1: {  	s21 =	sadd.s32 @!p0 $0x2DC7800, s20  }
0xb2: {  	s20 =	sadd.s32 @!p0 $0x3568C00, s20;
	s21 =	sshrl.u32 @!p0 s21, $0x3  }
0xb3: {  	s23 =	simm.s32 @!p0 $0x9B00;
	s20 =	sshrl.u32 @!p0 s20, $0x3;
	s21 =	sadd.s32 @!p0 s2, s21  }
0xb4: {  	[tilespmem:s23], [sflag:$0x1] =	stream.linear.gather @!p0 [hbm4b:s21+s22], $0x400, $0x38;
	[tilespmem:$0x18300] =	vst v63  }
0xb5: {  	s20 =	sadd.s32 @!p0 s2, s20;
	s21 =	simm.s32 @!p0 $0x9F00  }
0xb6: {  	[tilespmem:s21], [sflag:$0x1] =	stream.linear.gather @!p0 [hbm4b:s20+s22], $0x400, $0x38;
	[tilespmem:$0x18300] =	vst v63  }
0xb7: {  	_ =	swait.ge [sflag:s8], $0x2000  }
0xb8: {  	[sflag:s8] =	ssyncset.done $0x0  }
0xb9: {  	[sflag:s8] =	ssyncadd.s32 $0xFFFFE000  }
0xba: {  	v8 =	vld.idx.msk [tilespmem:v8+s12+$0x0], $0xffff;
	_ =	sdelay $0x4  }
0xbb: {  	v8 =	vxor.u32 $0x80000000, v8  }
0xbc: {  	(xrf0) =	vmax.scan.msk.u32 $0xffff, v8;
	_ =	sdelay $0x5  }
0xbd: {  	v8, _, _ =	vpop (xrf0)  }
0xbe: {  	(v2sf) =	vpush v8, $0xF;
	_ =	sdelay $0xe  }
0xbf: {  	s20 =	spop (v2sf)  }
0xc0: {  	s31 =	sxor.u32 $0x80000000, s20  }
0xc1: {  	v8 =	vmov s31;
	_ =	sdelay $0x4  }
0xc2: {  	v8 =	vld.idx.msk [tilespmem:v8+s13+$0x0], $0xffff;
	_ =	sdelay $0x4  }
0xc3: {  	v8 =	vxor.u32 $0x80000000, v8  }
0xc4: {  	(xrf0) =	vmax.scan.msk.u32 $0xffff, v8;
	_ =	sdelay $0x5  }
0xc5: {  	v8, _, _ =	vpop (xrf0)  }
0xc6: {  	(v2sf) =	vpush v8, $0xF;
	_ =	sdelay $0xe  }
0xc7: {  	s21 =	spop (v2sf)  }
0xc8: {  	p0 =	sgt.s32 s21, $0xFFFFFFFF  }
.Ltmp7:
0xc9: {  	_ = 	snop;
	(pc) =	sbr.rel @p0 .LBB2_9-.Ltmp7, $1  }
0xca: {  	_ =	sdelay $0x3  }
0xcb: {  	s20 =	sadd.s32 s7, s20;
	s22 =	sshll.u32 s17, $0x9  }
0xcc: {  	s20 =	sshll.u32 s20, $0x7;
	s22 =	sshra.s32 s22, $0x2  }
0xcd: {  	v8 =	vmov s20;
	s20 =	sadd.s32 $0x10300, s22  }
.LBB2_8:
0xce: {  	s21 =	sand.u32 $0x7FFFFFFF, s21  }
0xcf: {  	v9 =	vmov s21;
	_ =	sdelay $0x4  }
0xd0: {  	v10 =	vld.idx.msk [tilespmem:v9+s5+$0x0], $0xffff;
	_ =	sdelay $0x4  }
0xd1: {  	v11 =	vsub.s32 v10, v8  }
0xd2: {  	v10 =	vand.u32 $0x7F, v10;
	v11 =	vand.u32 $0xFFFFFF80, v11  }
0xd3: {  	v10 =	vor.u32 v10, v11  }
0xd4: {  	v11 =	vadd.s32 v1, v10;
	_ =	sdelay $0x1  }
0xd5: {  	s31 =	sshra.s32 s17, $0x1F  }
0xd6: {  	s21 =	sshrl.u32 s31, $0x19  }
0xd7: {  	s21 =	sadd.s32 s21, s17  }
0xd8: {  	s22 =	sshra.s32 s21, $0x7;
	v11 =	vld.idx.msk [tilespmem:v11+s14+$0x0], $0xffff  }
0xd9: {  	s23 =	sshll.u32 s22, $0x10;
	v12 =	vadd.s32 v5, v10  }
0xda: {  	s23 =	ssub.s32 $0x0, s23  }
0xdb: {  	s23 =	sshra.s32 s23, $0x2  }
0xdc: {  	s23 =	sadd.s32 s23, s20  }
0xdd: {  	[tilespmem:s23+$0x0] =	vst v11  }
0xde: {  	v11 =	vld.idx.msk [tilespmem:v12+s14+$0x0], $0xffff  }
0xdf: {  	v62 =	vadd.s32 v6, v10;
	_ =	sdelay $0x3  }
0xe0: {  	[tilespmem:s23+$0x10] =	vst v11  }
0xe1: {  	v11 =	vld.idx.msk [tilespmem:v62+s14+$0x0], $0xffff  }
0xe2: {  	v10 =	vadd.s32 v7, v10  }
0xe3: {  	s21 =	sand.u32 $0xFFFFFF80, s21  }
0xe4: {  	s24 =	ssub.s32 s17, s21  }
0xe5: {  	v63 =	vmov s24  }
0xe6: {  	[tilespmem:s23+$0x20] =	vst v11;
	v11 =	vand.u32 $0xFFFFFF80, v63  }
0xe7: {  	v12 =	vand.u32 $0x7F, v63;
	v10 =	vld.idx.msk [tilespmem:v10+s14+$0x0], $0xffff;
	v11 =	vadd.s32 s21, v11  }
0xe8: {  	v11 =	vor.u32 v12, v11;
	_ =	sdelay $0x1  }
0xe9: {  	p0 =	sne.s32 s24, $0x7F  }
0xea: {  	s21 =	sshll.u32 @!p0 s22, $0x9  }
0xeb: {  	s21 =	sshra.s32 @!p0 s21, $0x2;
	[tilespmem:s23+$0x30] =	vst v10  }
0xec: {  	s22 =	simm.s32 @!p0 $0x80;
	s21 =	sadd.s32 @!p0 $0x14300, s21;
	s23 =	simm.s32 @!p0 $0x10300;
	[tilespmem:v11+s15+$0x0] =	vst.idx.msk $0x1, v9  }
0xed: {  	[hbm4b:s6+s22] =	stream.indirect.scatter @!p0 [tilespmem:s23], [sflag:$0x5], $0x80, s21, s22, $0xb8;
	[tilespmem:$0x18300] =	vst v63  }
0xee: {  	s21 =	simm.s32 @!p0 $0x5  }
0xef: {  	_ =	swait.ge @!p0 [sflag:s21], $0x4000  }
0xf0: {  	[sflag:s21] =	ssyncset.done @!p0 $0x0  }
0xf1: {  	[sflag:s21] =	ssyncadd.s32 @!p0 $0xFFFFC000  }
0xf2: {  	v9 =	vld.idx.msk [tilespmem:v9+s11+$0x0], $0xffff;
	_ =	sdelay $0x4  }
0xf3: {  	v9 =	vxor.u32 $0x80000000, v9  }
0xf4: {  	(xrf0) =	vmax.scan.msk.u32 $0xffff, v9;
	_ =	sdelay $0x5  }
0xf5: {  	v9, _, _ =	vpop (xrf0)  }
0xf6: {  	(v2sf) =	vpush v9, $0xF;
	_ =	sdelay $0xe  }
0xf7: {  	s21 =	spop (v2sf)  }
0xf8: {  	p0 =	slt.s32 s21, $0x0  }
.Ltmp8:
0xf9: {  	_ = 	snop;
	(pc) =	sbr.rel @p0 .LBB2_8-.Ltmp8, $2  }
0xfa: {  	_ =	sdelay $0x2  }
0xfb: {  	s17 =	sadd.s32 $0x1, s17;
	s20 =	sadd.s32 $0x80, s20  }
.Ltmp9:
0xfc: {  	_ = 	snop;
	(pc) =	sbr.rel .LBB2_9-.Ltmp9, $1  }
0xfd: {  	_ =	sdelay $0x3  }
.LBB2_12:
0xfe: {  	_ =	sfence.sel $0x180000  }
0xff: {  	[bflag:$0x0] =	sbarrier.arrive $0xFFFF  }
0x100: {  	p0 =	sne.s32 s4, $0x0;
	_ =	strace $0x90000047  }
0x101: {  	s0 =	sadd.s32 @!p0 $0x100000, s0;
	[bflag:$0x2] =	sbarrier.arrive $0xFFFF  }
0x102: {  	[sflag:s0] =	ssyncadd.tile.s32 @!p0 $0x1;
	_ =	shalt  }
.Lfunc_end2:
_tile_overlayer_lowered:
.L_overlay_start_2:
0x103: {  	(tag) =	ssettag $0x2  }
0x104: {  	s0 =	rddreg [dreg:$0x0];
	s2 =	stileid.u32  }
0x105: {  	s1 =	rddreg [dreg:$0x1];
	p0 =	sne.s32 s2, $0x0  }
0x106: {  	s3 =	rddreg [dreg:$0x2];
	[bflag:$0x3] =	sbarrier.arrive $0xFFFF;
	s2 =	simm.s32 @!p0 $0x1C06  }
0x107: {  	[timem:s3], [sflag:s2] =	dma.local @!p0 [hbm:s0], s1  }
0x108: {  	s0 =	simm.s32 @!p0 $0x6  }
0x109: {  	_ =	swait.ge @!p0 [sflag:s0], s1  }
0x10a: {  	s1 =	ssub.s32 @!p0 $0x0, s1;
	[sflag:s0] =	ssyncset.done @!p0 $0x0  }
0x10b: {  	[sflag:s0] =	ssyncadd.s32 @!p0 s1  }
0x10c: {  	[bflag:$0x3] =	sbarrier.arrive $0xFFFF  }
0x10d: {  	_ =	shalt  }

</sc_bundles>
